<compile_context>
chip_gen: v7x
topology: tpu7x:2x2x1
jax: 0.10.2.dev20260603
libtpu: 0.0.44.dev20260713+nightly
codegen_flags: <defaults>
</compile_context>

<pallas_src>
import functools

import jax
import jax.numpy as jnp
from jax import lax
from jax.experimental import pallas as pl
from jax.experimental.pallas import tpu as pltpu
from jax.experimental.pallas import tpu_sc as plsc

X_RANGE = (-50.0, 50.0)
Y_RANGE = (-50.0, 50.0)
Z_RANGE = (-3.0, 5.0)
BEV_SIZE = 256
NUM_FEATURES = 64
X_SIZE = (X_RANGE[1] - X_RANGE[0]) / BEV_SIZE
Y_SIZE = (Y_RANGE[1] - Y_RANGE[0]) / BEV_SIZE

B = 8
N = 100000
NBINS = BEV_SIZE * BEV_SIZE
NRANGES = 4
RBINS = NBINS // NRANGES
CHUNK = 5000
NCHUNKS = N // CHUNK
NPAIRS = NCHUNKS // 2
L = 16
UNROLL = 5
ZROWS = 64
NZCH = (NUM_FEATURES - 4) // NRANGES
NZ = NZCH * (BEV_SIZE // ZROWS)
ZPER = NZ // NPAIRS


def _prep(pxf, pyf, pzf):
    LB = 102400

    def body(px_ref, py_ref, pz_ref, o_ref):
        x = px_ref[...]
        y = py_ref[...]
        z = pz_ref[...]
        m = (x >= X_RANGE[0]) & (x < X_RANGE[1]) & \
            (y >= Y_RANGE[0]) & (y < Y_RANGE[1]) & \
            (z >= Z_RANGE[0]) & (z < Z_RANGE[1])
        xi = jnp.clip(((x - X_RANGE[0]) / X_SIZE).astype(jnp.int32), 0, BEV_SIZE - 1)
        yi = jnp.clip(((y - Y_RANGE[0]) / Y_SIZE).astype(jnp.int32), 0, BEV_SIZE - 1)
        o_ref[...] = jnp.where(m, yi * BEV_SIZE + xi, -1)

    return pl.pallas_call(
        body,
        grid=(pl.cdiv(B * N, LB),),
        in_specs=[pl.BlockSpec((LB,), lambda i: (i,))] * 3,
        out_specs=pl.BlockSpec((LB,), lambda i: (i,)),
        out_shape=jax.ShapeDtypeStruct((B * N,), jnp.int32),
        compiler_params=pltpu.CompilerParams(
            allow_input_fusion=[True, True, True],
        ),
    )(pxf, pyf, pzf)


def _sc_scatter(idx_flat, z_flat, f_flat):
    mesh = plsc.VectorSubcoreMesh(core_axis_name="c", subcore_axis_name="s")

    @functools.partial(
        pl.kernel,
        mesh=mesh,
        out_type=jax.ShapeDtypeStruct((B * 3 * NBINS,), jnp.float32),
        compiler_params=pltpu.CompilerParams(
            needs_layout_passes=False,
            use_tc_tiling_on_sc=False,
        ),
        scratch_types=[
            pltpu.VMEM((CHUNK,), jnp.int32),
            pltpu.VMEM((CHUNK,), jnp.float32),
            pltpu.VMEM((CHUNK,), jnp.float32),
            pltpu.VMEM((CHUNK,), jnp.int32),
            pltpu.VMEM((CHUNK,), jnp.float32),
            pltpu.VMEM((CHUNK,), jnp.float32),
            pltpu.VMEM((RBINS,), jnp.float32),
            pltpu.VMEM((RBINS,), jnp.float32),
            pltpu.VMEM((RBINS,), jnp.float32),
            pltpu.SemaphoreType.DMA,
            pltpu.SemaphoreType.DMA,
        ],
    )
    def k(idx_hbm, z_hbm, f_hbm, acc_hbm,
          idx_a, z_a, f_a, idx_b, z_b, f_b, acc_c, acc_z, acc_f,
          sem_a, sem_b):
        c = lax.axis_index("c")
        s = lax.axis_index("s")
        wid = s * 2 + c
        b = wid // NRANGES
        r = wid % NRANGES
        lo = r * RBINS

        zeros16 = jnp.zeros((L,), jnp.float32)

        @plsc.parallel_loop(0, RBINS, L, unroll=8)
        def _(o):
            acc_c[pl.ds(o, L)] = zeros16
            acc_z[pl.ds(o, L)] = zeros16
            acc_f[pl.ds(o, L)] = zeros16

        ones16 = jnp.ones((L,), jnp.float32)
        base = b * N

        def issue(g, bi, bz, bf, sem):
            off = base + g * CHUNK
            pltpu.make_async_copy(idx_hbm.at[pl.ds(off, CHUNK)], bi, sem).start()
            pltpu.make_async_copy(z_hbm.at[pl.ds(off, CHUNK)], bz, sem).start()
            pltpu.make_async_copy(f_hbm.at[pl.ds(off, CHUNK)], bf, sem).start()

        def wait(bi, bz, bf, sem):
            pltpu.make_async_copy(idx_hbm.at[pl.ds(base, CHUNK)], bi, sem).wait()
            pltpu.make_async_copy(z_hbm.at[pl.ds(base, CHUNK)], bz, sem).wait()
            pltpu.make_async_copy(f_hbm.at[pl.ds(base, CHUNK)], bf, sem).wait()

        def process(bi, bz, bf):
            @plsc.parallel_loop(0, CHUNK, L, unroll=UNROLL)
            def _(o):
                iv = bi[pl.ds(o, L)]
                li = iv - lo
                m = plsc.bitcast(li, jnp.uint32) < jnp.uint32(RBINS)
                plsc.addupdate_scatter(acc_c, [li], ones16, mask=m)
                plsc.addupdate_scatter(acc_z, [li], bz[pl.ds(o, L)], mask=m)
                plsc.addupdate_scatter(acc_f, [li], bf[pl.ds(o, L)], mask=m)

        issue(0, idx_a, z_a, f_a, sem_a)

        def pair_body(p, carry):
            g = p * 2
            wait(idx_a, z_a, f_a, sem_a)
            issue(g + 1, idx_b, z_b, f_b, sem_b)
            process(idx_a, z_a, f_a)

            @pl.when(g + 2 < NCHUNKS)
            def _():
                issue(g + 2, idx_a, z_a, f_a, sem_a)

            wait(idx_b, z_b, f_b, sem_b)
            process(idx_b, z_b, f_b)
            return carry

        lax.fori_loop(0, NPAIRS, pair_body, 0)

        obase = b * 3 * NBINS + lo
        pltpu.sync_copy(acc_c, acc_hbm.at[pl.ds(obase, RBINS)])
        pltpu.sync_copy(acc_z, acc_hbm.at[pl.ds(obase + NBINS, RBINS)])
        pltpu.sync_copy(acc_f, acc_hbm.at[pl.ds(obase + 2 * NBINS, RBINS)])

    return k(idx_flat, z_flat, f_flat)


def _zerofill():
    NSEM = 8
    ZQ = 12

    def body(o_ref, zbuf, *sems):
        zbuf[...] = jnp.zeros_like(zbuf)
        k = 0
        for b_ in range(B):
            for g in range((NUM_FEATURES - 4) // ZQ):
                pltpu.make_async_copy(
                    zbuf, o_ref.at[b_, pl.ds(4 + g * ZQ, ZQ)], sems[k % NSEM]
                ).start()
                k += 1
        k = 0
        for b_ in range(B):
            for g in range((NUM_FEATURES - 4) // ZQ):
                pltpu.make_async_copy(
                    zbuf, o_ref.at[b_, pl.ds(4 + g * ZQ, ZQ)], sems[k % NSEM]
                ).wait()
                k += 1

    return pl.pallas_call(
        body,
        out_specs=pl.BlockSpec(memory_space=pl.ANY),
        out_shape=jax.ShapeDtypeStruct((B, NUM_FEATURES, BEV_SIZE, BEV_SIZE), jnp.float32),
        scratch_shapes=[pltpu.VMEM((ZQ, BEV_SIZE, BEV_SIZE), jnp.float32)]
        + [pltpu.SemaphoreType.DMA] * NSEM,
    )()


def _finalize(acc, canvas):
    accr = acc.reshape(B, 3, BEV_SIZE, BEV_SIZE)

    def body(acc_ref, _, o_ref):
        cnt = acc_ref[0, 0]
        zs = acc_ref[0, 1]
        fs = acc_ref[0, 2]
        ch0 = jnp.log1p(cnt)
        denom = jnp.maximum(jnp.exp(ch0), 1.0)
        o_ref[0, 0] = ch0
        o_ref[0, 1] = zs
        o_ref[0, 2] = zs / denom
        o_ref[0, 3] = fs / denom

    return pl.pallas_call(
        body,
        grid=(B,),
        in_specs=[
            pl.BlockSpec((1, 3, BEV_SIZE, BEV_SIZE), lambda b: (b, 0, 0, 0)),
            pl.BlockSpec(memory_space=pl.ANY),
        ],
        out_specs=pl.BlockSpec((1, 4, BEV_SIZE, BEV_SIZE), lambda b: (b, 0, 0, 0)),
        out_shape=jax.ShapeDtypeStruct((B, NUM_FEATURES, BEV_SIZE, BEV_SIZE), jnp.float32),
        input_output_aliases={1: 0},
    )(accr, canvas)


def kernel(points):
    px = points[:, :, 0].reshape(-1)
    py = points[:, :, 1].reshape(-1)
    pz = points[:, :, 2].reshape(-1)
    pf = points[:, :, 3].reshape(-1)
    idx = _prep(px, py, pz)
    canvas = _zerofill()
    acc = _sc_scatter(idx, pz, pf)
    return _finalize(acc, canvas)

# --- scband reference (transcript-rebuilt; emitter-appended) ---
"""Pipeline reference for scband-ultra-fast-bev-11656541241445 (READ-ONLY COPY).

The authoritative reference and input builder live on the scoring server;
editing this copy changes nothing except your own understanding.
"""

import jax, jax.numpy as jnp
import numpy as np

X_RANGE = (-50.0, 50.0)
Y_RANGE = (-50.0, 50.0)
Z_RANGE = (-3.0, 5.0)
BEV_SIZE = 256
NUM_FEATURES = 64
X_SIZE = (X_RANGE[1] - X_RANGE[0]) / BEV_SIZE
Y_SIZE = (Y_RANGE[1] - Y_RANGE[0]) / BEV_SIZE


def setup_inputs(seed: int = 0) -> dict:
    key = jax.random.key(seed)
    points = jax.random.normal(key, (8, 100000, 4), dtype=jnp.float32)
    return {"points": points}


def reference(points):
    B, N, _ = points.shape
    H = W = BEV_SIZE
    px = points[:, :, 0]
    py = points[:, :, 1]
    pz = points[:, :, 2]
    pf = points[:, :, 3]
    mask = (px >= X_RANGE[0]) & (px < X_RANGE[1]) & \
           (py >= Y_RANGE[0]) & (py < Y_RANGE[1]) & \
           (pz >= Z_RANGE[0]) & (pz < Z_RANGE[1])
    # torch .long() truncates toward zero; astype(int32) matches for the in-range
    # (non-negative) values and out-of-range values are clamped/masked anyway.
    x_idx = ((px - X_RANGE[0]) / X_SIZE).astype(jnp.int32)
    y_idx = ((py - Y_RANGE[0]) / Y_SIZE).astype(jnp.int32)
    x_idx = jnp.clip(x_idx, 0, W - 1) * mask
    y_idx = jnp.clip(y_idx, 0, H - 1) * mask
    flat_idx = y_idx * W + x_idx  # [B, N] int32 in [0, H*W)
    mf = mask.astype(jnp.float32)
    bidx = jnp.arange(B)[:, None]
    counts = jnp.zeros((B, H * W), jnp.float32).at[bidx, flat_idx].add(mf)
    ch0 = jnp.log1p(counts)
    z_sum = jnp.zeros((B, H * W), jnp.float32).at[bidx, flat_idx].add(pz * mf)
    f_sum = jnp.zeros((B, H * W), jnp.float32).at[bidx, flat_idx].add(pf * mf)
    # exp(log1p(count)) = count + 1, clamped to >= 1
    denom = jnp.maximum(jnp.exp(ch0), 1.0)
    ch1 = z_sum
    ch2 = z_sum / denom
    ch3 = f_sum / denom
    bev = jnp.zeros((B, NUM_FEATURES, H * W), jnp.float32)
    bev = bev.at[:, 0, :].set(ch0)
    bev = bev.at[:, 1, :].set(ch1)
    bev = bev.at[:, 2, :].set(ch2)
    bev = bev.at[:, 3, :].set(ch3)
    return bev.reshape(B, NUM_FEATURES, H, W)

if __name__ == "__main__":
    import jax
    _d = setup_inputs()
    print(jax.jit(kernel)(*tuple(_d.values())))

</pallas_src>

<mosaic_0001>
#map = affine_map<(d0, d1) -> (0)>
module attributes {stable_mosaic.version = 14 : i64} {
  func.func @k(%arg0: i32, %arg1: i32, %arg2: memref<800000xi32, #tpu.memory_space<hbm>>, %arg3: memref<800000xf32, #tpu.memory_space<hbm>>, %arg4: memref<800000xf32, #tpu.memory_space<hbm>>, %arg5: memref<1572864xf32, #tpu.memory_space<hbm>>, %arg6: memref<5000xi32, #tpu.memory_space<vmem>>, %arg7: memref<5000xf32, #tpu.memory_space<vmem>>, %arg8: memref<5000xf32, #tpu.memory_space<vmem>>, %arg9: memref<5000xi32, #tpu.memory_space<vmem>>, %arg10: memref<5000xf32, #tpu.memory_space<vmem>>, %arg11: memref<5000xf32, #tpu.memory_space<vmem>>, %arg12: memref<16384xf32, #tpu.memory_space<vmem>>, %arg13: memref<16384xf32, #tpu.memory_space<vmem>>, %arg14: memref<16384xf32, #tpu.memory_space<vmem>>, %arg15: memref<!tpu.dma_semaphore, #tpu.memory_space<semaphore_mem>>, %arg16: memref<!tpu.dma_semaphore, #tpu.memory_space<semaphore_mem>>) attributes {dimension_semantics = [#tpu.dimension_semantics<core_parallel>, #tpu.dimension_semantics<subcore_parallel>], iteration_bounds = array<i64: 2, 16>, scalar_prefetch = 0 : i64, scratch_operands = 11 : i64, tpu.core_type = #tpu.core_type<sc_vector_subcore>, window_params = [{transform_indices = #map}, {transform_indices = #map}, {transform_indices = #map}, {transform_indices = #map}]} {
    %mul3A = arith.constant 2 : i32
    %mul3A_0 = arith.muli %arg1, %mul3A : i32
    %add3A = arith.addi %mul3A_0, %arg0 : i32
    %jit3A = arith.constant 4 : i32
    %div3A = arith.divsi %add3A, %jit3A : i32
    %sign3A = arith.constant 0 : i32
    %sign3A_1 = arith.cmpi sgt, %add3A, %sign3A : i32
    %sign3A_2 = arith.extui %sign3A_1 : i1 to i32
    %sign3A_3 = arith.constant 0 : i32
    %sign3A_4 = arith.cmpi slt, %add3A, %sign3A_3 : i32
    %sign3A_5 = arith.extui %sign3A_4 : i1 to i32
    %sign3A_6 = arith.subi %sign3A_2, %sign3A_5 : i32
    %sign3A_7 = arith.constant 0 : i32
    %sign3A_8 = arith.cmpi sgt, %jit3A, %sign3A_7 : i32
    %sign3A_9 = arith.extui %sign3A_8 : i1 to i32
    %sign3A_10 = arith.constant 0 : i32
    %sign3A_11 = arith.cmpi slt, %jit3A, %sign3A_10 : i32
    %sign3A_12 = arith.extui %sign3A_11 : i1 to i32
    %sign3A_13 = arith.subi %sign3A_9, %sign3A_12 : i32
    %ne3A = arith.cmpi ne, %sign3A_6, %sign3A_13 : i32
    %rem3A = arith.remsi %add3A, %jit3A : i32
    %ne3A_14 = arith.constant 0 : i32
    %ne3A_15 = arith.cmpi ne, %rem3A, %ne3A_14 : i32
    %and3A = arith.andi %ne3A, %ne3A_15 : i1
    %sub3A = arith.constant 1 : i32
    %sub3A_16 = arith.subi %div3A, %sub3A : i32
    %select_n3A = arith.select %and3A, %sub3A_16, %div3A : i32
    %jit3A_17 = arith.constant 4 : i32
    %eq3A = arith.constant 0 : i32
    %eq3A_18 = arith.cmpi eq, %jit3A_17, %eq3A : i32
    %jit3A_19 = arith.constant 1 : i32
    %select_n3A_20 = arith.select %eq3A_18, %jit3A_19, %jit3A_17 : i32
    %rem3A_21 = arith.remsi %add3A, %select_n3A_20 : i32
    %ne3A_22 = arith.constant 0 : i32
    %ne3A_23 = arith.cmpi ne, %rem3A_21, %ne3A_22 : i32
    %lt3A = arith.constant 0 : i32
    %lt3A_24 = arith.cmpi slt, %rem3A_21, %lt3A : i32
    %lt3A_25 = arith.constant 0 : i32
    %lt3A_26 = arith.cmpi slt, %select_n3A_20, %lt3A_25 : i32
    %ne3A_27 = arith.xori %lt3A_24, %lt3A_26 : i1
    %and3A_28 = arith.andi %ne3A_27, %ne3A_23 : i1
    %add3A_29 = arith.addi %rem3A_21, %select_n3A_20 : i32
    %select_n3A_30 = arith.select %and3A_28, %add3A_29, %rem3A_21 : i32
    %mul3A_31 = arith.constant 16384 : i32
    %mul3A_32 = arith.muli %select_n3A_30, %mul3A_31 : i32
    %broadcast_in_dim3A = arith.constant 0.000000e+00 : f32
    %broadcast_in_dim3A_33 = vector.broadcast %broadcast_in_dim3A : f32 to vector<16xf32>
    %parallel_loop3A = arith.constant 0 : i32
    %parallel_loop3A_34 = arith.constant 16384 : i32
    %parallel_loop3A_35 = arith.constant 16 : i32
    scf.for %parallel_loop3A_61 = %parallel_loop3A to %parallel_loop3A_34 step %parallel_loop3A_35  : i32 {
      %parallel_loop3A_62 = arith.index_cast %parallel_loop3A_61 : i32 to index
      %parallel_loop3A_63 = tpu.vector_load %arg12[%parallel_loop3A_62] {strides = array<i32>} : memref<16384xf32, #tpu.memory_space<vmem>>, vector<16xf32>,
      tpu.vector_store %arg12[%parallel_loop3A_62], %broadcast_in_dim3A_33 {strides = array<i32>} : memref<16384xf32, #tpu.memory_space<vmem>>, vector<16xf32>,
      %parallel_loop3A_64 = arith.index_cast %parallel_loop3A_61 : i32 to index
      %parallel_loop3A_65 = tpu.vector_load %arg13[%parallel_loop3A_64] {strides = array<i32>} : memref<16384xf32, #tpu.memory_space<vmem>>, vector<16xf32>,
      tpu.vector_store %arg13[%parallel_loop3A_64], %broadcast_in_dim3A_33 {strides = array<i32>} : memref<16384xf32, #tpu.memory_space<vmem>>, vector<16xf32>,
      %parallel_loop3A_66 = arith.index_cast %parallel_loop3A_61 : i32 to index
      %parallel_loop3A_67 = tpu.vector_load %arg14[%parallel_loop3A_66] {strides = array<i32>} : memref<16384xf32, #tpu.memory_space<vmem>>, vector<16xf32>,
      tpu.vector_store %arg14[%parallel_loop3A_66], %broadcast_in_dim3A_33 {strides = array<i32>} : memref<16384xf32, #tpu.memory_space<vmem>>, vector<16xf32>,
    } {sc.loop_unroll_factor = 8 : i64, sc.parallel_access}
    %broadcast_in_dim3A_36 = arith.constant 1.000000e+00 : f32
    %broadcast_in_dim3A_37 = vector.broadcast %broadcast_in_dim3A_36 : f32 to vector<16xf32>
    %mul3A_38 = arith.constant 100000 : i32
    %mul3A_39 = arith.muli %select_n3A, %mul3A_38 : i32
    %add3A_40 = arith.constant 0 : i32
    %add3A_41 = arith.addi %mul3A_39, %add3A_40 : i32
    %dma_start3A = tpu.memref_slice %arg2[%add3A_41] : memref<800000xi32, #tpu.memory_space<hbm>> -> memref<5000xi32, #tpu.memory_space<hbm>>
    %dma_start3A_42 = tpu.memref_slice %arg2[%add3A_41] : memref<800000xi32, #tpu.memory_space<hbm>> -> memref<5000xi32, #tpu.memory_space<hbm>>
    tpu.enqueue_dma source(%dma_start3A_42 : memref<5000xi32, #tpu.memory_space<hbm>>) target(%arg6 : memref<5000xi32, #tpu.memory_space<vmem>>) target_semaphore(%arg15 : memref<!tpu.dma_semaphore, #tpu.memory_space<semaphore_mem>>)
    %dma_start3A_43 = tpu.memref_slice %arg3[%add3A_41] : memref<800000xf32, #tpu.memory_space<hbm>> -> memref<5000xf32, #tpu.memory_space<hbm>>
    %dma_start3A_44 = tpu.memref_slice %arg3[%add3A_41] : memref<800000xf32, #tpu.memory_space<hbm>> -> memref<5000xf32, #tpu.memory_space<hbm>>
    tpu.enqueue_dma source(%dma_start3A_44 : memref<5000xf32, #tpu.memory_space<hbm>>) target(%arg7 : memref<5000xf32, #tpu.memory_space<vmem>>) target_semaphore(%arg15 : memref<!tpu.dma_semaphore, #tpu.memory_space<semaphore_mem>>)
    %dma_start3A_45 = tpu.memref_slice %arg4[%add3A_41] : memref<800000xf32, #tpu.memory_space<hbm>> -> memref<5000xf32, #tpu.memory_space<hbm>>
    %dma_start3A_46 = tpu.memref_slice %arg4[%add3A_41] : memref<800000xf32, #tpu.memory_space<hbm>> -> memref<5000xf32, #tpu.memory_space<hbm>>
    tpu.enqueue_dma source(%dma_start3A_46 : memref<5000xf32, #tpu.memory_space<hbm>>) target(%arg8 : memref<5000xf32, #tpu.memory_space<vmem>>) target_semaphore(%arg15 : memref<!tpu.dma_semaphore, #tpu.memory_space<semaphore_mem>>)
    %scan3A = arith.constant 0 : i32
    %scan3A_47 = arith.constant 0 : i32
    %scan3A_48 = arith.constant 10 : i32
    %scan3A_49 = arith.addi %scan3A_47, %scan3A_48 : i32
    %scan3A_50 = arith.constant 1 : i32
    scf.for %scan3A_61 = %scan3A_47 to %scan3A_49 step %scan3A_50  : i32 {
      %mul3A_62 = arith.constant 2 : i32
      %mul3A_63 = arith.muli %scan3A_61, %mul3A_62 : i32
      %dma_wait3A = tpu.memref_slice %arg2[%mul3A_39] : memref<800000xi32, #tpu.memory_space<hbm>> -> memref<5000xi32, #tpu.memory_space<hbm>>
      %dma_wait3A_64 = tpu.memref_slice %arg2[%mul3A_39] : memref<800000xi32, #tpu.memory_space<hbm>> -> memref<5000xi32, #tpu.memory_space<hbm>>
      tpu.wait_dma2 semaphore(%arg15 : memref<!tpu.dma_semaphore, #tpu.memory_space<semaphore_mem>>) src(%dma_wait3A_64 : memref<5000xi32, #tpu.memory_space<hbm>>) dst(%arg6 : memref<5000xi32, #tpu.memory_space<vmem>>)
      %dma_wait3A_65 = tpu.memref_slice %arg3[%mul3A_39] : memref<800000xf32, #tpu.memory_space<hbm>> -> memref<5000xf32, #tpu.memory_space<hbm>>
      %dma_wait3A_66 = tpu.memref_slice %arg3[%mul3A_39] : memref<800000xf32, #tpu.memory_space<hbm>> -> memref<5000xf32, #tpu.memory_space<hbm>>
      tpu.wait_dma2 semaphore(%arg15 : memref<!tpu.dma_semaphore, #tpu.memory_space<semaphore_mem>>) src(%dma_wait3A_66 : memref<5000xf32, #tpu.memory_space<hbm>>) dst(%arg7 : memref<5000xf32, #tpu.memory_space<vmem>>)
      %dma_wait3A_67 = tpu.memref_slice %arg4[%mul3A_39] : memref<800000xf32, #tpu.memory_space<hbm>> -> memref<5000xf32, #tpu.memory_space<hbm>>
      %dma_wait3A_68 = tpu.memref_slice %arg4[%mul3A_39] : memref<800000xf32, #tpu.memory_space<hbm>> -> memref<5000xf32, #tpu.memory_space<hbm>>
      tpu.wait_dma2 semaphore(%arg15 : memref<!tpu.dma_semaphore, #tpu.memory_space<semaphore_mem>>) src(%dma_wait3A_68 : memref<5000xf32, #tpu.memory_space<hbm>>) dst(%arg8 : memref<5000xf32, #tpu.memory_space<vmem>>)
      %add3A_69 = arith.constant 1 : i32
      %add3A_70 = arith.addi %mul3A_63, %add3A_69 : i32
      %mul3A_71 = arith.constant 5000 : i32
      %mul3A_72 = arith.muli %add3A_70, %mul3A_71 : i32
      %add3A_73 = arith.addi %mul3A_39, %mul3A_72 : i32
      %dma_start3A_74 = tpu.memref_slice %arg2[%add3A_73] : memref<800000xi32, #tpu.memory_space<hbm>> -> memref<5000xi32, #tpu.memory_space<hbm>>
      %dma_start3A_75 = tpu.memref_slice %arg2[%add3A_73] : memref<800000xi32, #tpu.memory_space<hbm>> -> memref<5000xi32, #tpu.memory_space<hbm>>
      tpu.enqueue_dma source(%dma_start3A_75 : memref<5000xi32, #tpu.memory_space<hbm>>) target(%arg9 : memref<5000xi32, #tpu.memory_space<vmem>>) target_semaphore(%arg16 : memref<!tpu.dma_semaphore, #tpu.memory_space<semaphore_mem>>)
      %dma_start3A_76 = tpu.memref_slice %arg3[%add3A_73] : memref<800000xf32, #tpu.memory_space<hbm>> -> memref<5000xf32, #tpu.memory_space<hbm>>
      %dma_start3A_77 = tpu.memref_slice %arg3[%add3A_73] : memref<800000xf32, #tpu.memory_space<hbm>> -> memref<5000xf32, #tpu.memory_space<hbm>>
      tpu.enqueue_dma source(%dma_start3A_77 : memref<5000xf32, #tpu.memory_space<hbm>>) target(%arg10 : memref<5000xf32, #tpu.memory_space<vmem>>) target_semaphore(%arg16 : memref<!tpu.dma_semaphore, #tpu.memory_space<semaphore_mem>>)
      %dma_start3A_78 = tpu.memref_slice %arg4[%add3A_73] : memref<800000xf32, #tpu.memory_space<hbm>> -> memref<5000xf32, #tpu.memory_space<hbm>>
      %dma_start3A_79 = tpu.memref_slice %arg4[%add3A_73] : memref<800000xf32, #tpu.memory_space<hbm>> -> memref<5000xf32, #tpu.memory_space<hbm>>
      tpu.enqueue_dma source(%dma_start3A_79 : memref<5000xf32, #tpu.memory_space<hbm>>) target(%arg11 : memref<5000xf32, #tpu.memory_space<vmem>>) target_semaphore(%arg16 : memref<!tpu.dma_semaphore, #tpu.memory_space<semaphore_mem>>)
      %parallel_loop3A_80 = arith.constant 0 : i32
      %parallel_loop3A_81 = arith.constant 5000 : i32
      %parallel_loop3A_82 = arith.constant 16 : i32
      scf.for %parallel_loop3A_97 = %parallel_loop3A_80 to %parallel_loop3A_81 step %parallel_loop3A_82  : i32 {
        %parallel_loop3A_98 = arith.index_cast %parallel_loop3A_97 : i32 to index
        %parallel_loop3A_99 = tpu.vector_load %arg6[%parallel_loop3A_98] {strides = array<i32>} : memref<5000xi32, #tpu.memory_space<vmem>>, vector<16xi32>,
        %parallel_loop3A_100 = vector.broadcast %mul3A_32 : i32 to vector<16xi32>
        %parallel_loop3A_101 = arith.subi %parallel_loop3A_99, %parallel_loop3A_100 : vector<16xi32>
        %parallel_loop3A_102 = vector.bitcast %parallel_loop3A_101 : vector<16xi32> to vector<16xi32>
        %parallel_loop3A_103 = arith.constant 16384 : i32
        %parallel_loop3A_104 = vector.broadcast %parallel_loop3A_103 : i32 to vector<16xi32>
        %parallel_loop3A_105 = arith.cmpi ult, %parallel_loop3A_102, %parallel_loop3A_104 : vector<16xi32>
        tpu.vector_store_idx %arg12[%parallel_loop3A_101], %broadcast_in_dim3A_37 masked %parallel_loop3A_105 {add = true} : memref<16384xf32, #tpu.memory_space<vmem>>[vector<16xi32>], vector<16xf32>, vector<16xi1>
        %parallel_loop3A_106 = arith.index_cast %parallel_loop3A_97 : i32 to index
        %parallel_loop3A_107 = tpu.vector_load %arg7[%parallel_loop3A_106] {strides = array<i32>} : memref<5000xf32, #tpu.memory_space<vmem>>, vector<16xf32>,
        tpu.vector_store_idx %arg13[%parallel_loop3A_101], %parallel_loop3A_107 masked %parallel_loop3A_105 {add = true} : memref<16384xf32, #tpu.memory_space<vmem>>[vector<16xi32>], vector<16xf32>, vector<16xi1>
        %parallel_loop3A_108 = arith.index_cast %parallel_loop3A_97 : i32 to index
        %parallel_loop3A_109 = tpu.vector_load %arg8[%parallel_loop3A_108] {strides = array<i32>} : memref<5000xf32, #tpu.memory_space<vmem>>, vector<16xf32>,
        tpu.vector_store_idx %arg14[%parallel_loop3A_101], %parallel_loop3A_109 masked %parallel_loop3A_105 {add = true} : memref<16384xf32, #tpu.memory_space<vmem>>[vector<16xi32>], vector<16xf32>, vector<16xi1>
      } {sc.loop_unroll_factor = 5 : i64, sc.parallel_access}
      %add3A_83 = arith.constant 2 : i32
      %add3A_84 = arith.addi %mul3A_63, %add3A_83 : i32
      %lt3A_85 = arith.constant 20 : i32
      %lt3A_86 = arith.cmpi slt, %add3A_84, %lt3A_85 : i32
      %convert_element_type3A = arith.extui %lt3A_86 : i1 to i32
      %cond3A = arith.constant 0 : i32
      %cond3A_87 = arith.cmpi ne, %convert_element_type3A, %cond3A : i32
      scf.if %cond3A_87 {
        %add3A_97 = arith.constant 2 : i32
        %add3A_98 = arith.addi %mul3A_63, %add3A_97 : i32
        %mul3A_99 = arith.constant 5000 : i32
        %mul3A_100 = arith.muli %add3A_98, %mul3A_99 : i32
        %add3A_101 = arith.addi %mul3A_39, %mul3A_100 : i32
        %dma_start3A_102 = tpu.memref_slice %arg2[%add3A_101] : memref<800000xi32, #tpu.memory_space<hbm>> -> memref<5000xi32, #tpu.memory_space<hbm>>
        %dma_start3A_103 = tpu.memref_slice %arg2[%add3A_101] : memref<800000xi32, #tpu.memory_space<hbm>> -> memref<5000xi32, #tpu.memory_space<hbm>>
        tpu.enqueue_dma source(%dma_start3A_103 : memref<5000xi32, #tpu.memory_space<hbm>>) target(%arg6 : memref<5000xi32, #tpu.memory_space<vmem>>) target_semaphore(%arg15 : memref<!tpu.dma_semaphore, #tpu.memory_space<semaphore_mem>>)
        %dma_start3A_104 = tpu.memref_slice %arg3[%add3A_101] : memref<800000xf32, #tpu.memory_space<hbm>> -> memref<5000xf32, #tpu.memory_space<hbm>>
        %dma_start3A_105 = tpu.memref_slice %arg3[%add3A_101] : memref<800000xf32, #tpu.memory_space<hbm>> -> memref<5000xf32, #tpu.memory_space<hbm>>
        tpu.enqueue_dma source(%dma_start3A_105 : memref<5000xf32, #tpu.memory_space<hbm>>) target(%arg7 : memref<5000xf32, #tpu.memory_space<vmem>>) target_semaphore(%arg15 : memref<!tpu.dma_semaphore, #tpu.memory_space<semaphore_mem>>)
        %dma_start3A_106 = tpu.memref_slice %arg4[%add3A_101] : memref<800000xf32, #tpu.memory_space<hbm>> -> memref<5000xf32, #tpu.memory_space<hbm>>
        %dma_start3A_107 = tpu.memref_slice %arg4[%add3A_101] : memref<800000xf32, #tpu.memory_space<hbm>> -> memref<5000xf32, #tpu.memory_space<hbm>>
        tpu.enqueue_dma source(%dma_start3A_107 : memref<5000xf32, #tpu.memory_space<hbm>>) target(%arg8 : memref<5000xf32, #tpu.memory_space<vmem>>) target_semaphore(%arg15 : memref<!tpu.dma_semaphore, #tpu.memory_space<semaphore_mem>>)
      } else {
      }
      %dma_wait3A_88 = tpu.memref_slice %arg2[%mul3A_39] : memref<800000xi32, #tpu.memory_space<hbm>> -> memref<5000xi32, #tpu.memory_space<hbm>>
      %dma_wait3A_89 = tpu.memref_slice %arg2[%mul3A_39] : memref<800000xi32, #tpu.memory_space<hbm>> -> memref<5000xi32, #tpu.memory_space<hbm>>
      tpu.wait_dma2 semaphore(%arg16 : memref<!tpu.dma_semaphore, #tpu.memory_space<semaphore_mem>>) src(%dma_wait3A_89 : memref<5000xi32, #tpu.memory_space<hbm>>) dst(%arg9 : memref<5000xi32, #tpu.memory_space<vmem>>)
      %dma_wait3A_90 = tpu.memref_slice %arg3[%mul3A_39] : memref<800000xf32, #tpu.memory_space<hbm>> -> memref<5000xf32, #tpu.memory_space<hbm>>
      %dma_wait3A_91 = tpu.memref_slice %arg3[%mul3A_39] : memref<800000xf32, #tpu.memory_space<hbm>> -> memref<5000xf32, #tpu.memory_space<hbm>>
      tpu.wait_dma2 semaphore(%arg16 : memref<!tpu.dma_semaphore, #tpu.memory_space<semaphore_mem>>) src(%dma_wait3A_91 : memref<5000xf32, #tpu.memory_space<hbm>>) dst(%arg10 : memref<5000xf32, #tpu.memory_space<vmem>>)
      %dma_wait3A_92 = tpu.memref_slice %arg4[%mul3A_39] : memref<800000xf32, #tpu.memory_space<hbm>> -> memref<5000xf32, #tpu.memory_space<hbm>>
      %dma_wait3A_93 = tpu.memref_slice %arg4[%mul3A_39] : memref<800000xf32, #tpu.memory_space<hbm>> -> memref<5000xf32, #tpu.memory_space<hbm>>
      tpu.wait_dma2 semaphore(%arg16 : memref<!tpu.dma_semaphore, #tpu.memory_space<semaphore_mem>>) src(%dma_wait3A_93 : memref<5000xf32, #tpu.memory_space<hbm>>) dst(%arg11 : memref<5000xf32, #tpu.memory_space<vmem>>)
      %parallel_loop3A_94 = arith.constant 0 : i32
      %parallel_loop3A_95 = arith.constant 5000 : i32
      %parallel_loop3A_96 = arith.constant 16 : i32
      scf.for %parallel_loop3A_97 = %parallel_loop3A_94 to %parallel_loop3A_95 step %parallel_loop3A_96  : i32 {
        %parallel_loop3A_98 = arith.index_cast %parallel_loop3A_97 : i32 to index
        %parallel_loop3A_99 = tpu.vector_load %arg9[%parallel_loop3A_98] {strides = array<i32>} : memref<5000xi32, #tpu.memory_space<vmem>>, vector<16xi32>,
        %parallel_loop3A_100 = vector.broadcast %mul3A_32 : i32 to vector<16xi32>
        %parallel_loop3A_101 = arith.subi %parallel_loop3A_99, %parallel_loop3A_100 : vector<16xi32>
        %parallel_loop3A_102 = vector.bitcast %parallel_loop3A_101 : vector<16xi32> to vector<16xi32>
        %parallel_loop3A_103 = arith.constant 16384 : i32
        %parallel_loop3A_104 = vector.broadcast %parallel_loop3A_103 : i32 to vector<16xi32>
        %parallel_loop3A_105 = arith.cmpi ult, %parallel_loop3A_102, %parallel_loop3A_104 : vector<16xi32>
        tpu.vector_store_idx %arg12[%parallel_loop3A_101], %broadcast_in_dim3A_37 masked %parallel_loop3A_105 {add = true} : memref<16384xf32, #tpu.memory_space<vmem>>[vector<16xi32>], vector<16xf32>, vector<16xi1>
        %parallel_loop3A_106 = arith.index_cast %parallel_loop3A_97 : i32 to index
        %parallel_loop3A_107 = tpu.vector_load %arg10[%parallel_loop3A_106] {strides = array<i32>} : memref<5000xf32, #tpu.memory_space<vmem>>, vector<16xf32>,
        tpu.vector_store_idx %arg13[%parallel_loop3A_101], %parallel_loop3A_107 masked %parallel_loop3A_105 {add = true} : memref<16384xf32, #tpu.memory_space<vmem>>[vector<16xi32>], vector<16xf32>, vector<16xi1>
        %parallel_loop3A_108 = arith.index_cast %parallel_loop3A_97 : i32 to index
        %parallel_loop3A_109 = tpu.vector_load %arg11[%parallel_loop3A_108] {strides = array<i32>} : memref<5000xf32, #tpu.memory_space<vmem>>, vector<16xf32>,
        tpu.vector_store_idx %arg14[%parallel_loop3A_101], %parallel_loop3A_109 masked %parallel_loop3A_105 {add = true} : memref<16384xf32, #tpu.memory_space<vmem>>[vector<16xi32>], vector<16xf32>, vector<16xi1>
      } {sc.loop_unroll_factor = 5 : i64, sc.parallel_access}
    }
    %scan3A_51 = arith.constant 10 : i32
    %mul3A_52 = arith.constant 3 : i32
    %mul3A_53 = arith.muli %select_n3A, %mul3A_52 : i32
    %mul3A_54 = arith.constant 65536 : i32
    %mul3A_55 = arith.muli %mul3A_53, %mul3A_54 : i32
    %add3A_56 = arith.addi %mul3A_55, %mul3A_32 : i32
    "tpu.region"() ({
      %run_scoped3A = tpu.sem_alloc : memref<!tpu.dma_semaphore, #tpu.memory_space<semaphore_mem>>
      %dma_start3A_61 = tpu.memref_slice %arg5[%add3A_56] : memref<1572864xf32, #tpu.memory_space<hbm>> -> memref<16384xf32, #tpu.memory_space<hbm>>
      %dma_start3A_62 = tpu.memref_slice %arg5[%add3A_56] : memref<1572864xf32, #tpu.memory_space<hbm>> -> memref<16384xf32, #tpu.memory_space<hbm>>
      tpu.enqueue_dma source(%arg12 : memref<16384xf32, #tpu.memory_space<vmem>>) target(%dma_start3A_62 : memref<16384xf32, #tpu.memory_space<hbm>>) target_semaphore(%run_scoped3A : memref<!tpu.dma_semaphore, #tpu.memory_space<semaphore_mem>>)
      %dma_wait3A = tpu.memref_slice %arg5[%add3A_56] : memref<1572864xf32, #tpu.memory_space<hbm>> -> memref<16384xf32, #tpu.memory_space<hbm>>
      %dma_wait3A_63 = tpu.memref_slice %arg5[%add3A_56] : memref<1572864xf32, #tpu.memory_space<hbm>> -> memref<16384xf32, #tpu.memory_space<hbm>>
      tpu.wait_dma2 semaphore(%run_scoped3A : memref<!tpu.dma_semaphore, #tpu.memory_space<semaphore_mem>>) src(%arg12 : memref<16384xf32, #tpu.memory_space<vmem>>) dst(%dma_wait3A_63 : memref<16384xf32, #tpu.memory_space<hbm>>)
      tpu.yield
    }) : () -> ()
    %add3A_57 = arith.constant 65536 : i32
    %add3A_58 = arith.addi %add3A_56, %add3A_57 : i32
    "tpu.region"() ({
      %run_scoped3A = tpu.sem_alloc : memref<!tpu.dma_semaphore, #tpu.memory_space<semaphore_mem>>
      %dma_start3A_61 = tpu.memref_slice %arg5[%add3A_58] : memref<1572864xf32, #tpu.memory_space<hbm>> -> memref<16384xf32, #tpu.memory_space<hbm>>
      %dma_start3A_62 = tpu.memref_slice %arg5[%add3A_58] : memref<1572864xf32, #tpu.memory_space<hbm>> -> memref<16384xf32, #tpu.memory_space<hbm>>
      tpu.enqueue_dma source(%arg13 : memref<16384xf32, #tpu.memory_space<vmem>>) target(%dma_start3A_62 : memref<16384xf32, #tpu.memory_space<hbm>>) target_semaphore(%run_scoped3A : memref<!tpu.dma_semaphore, #tpu.memory_space<semaphore_mem>>)
      %dma_wait3A = tpu.memref_slice %arg5[%add3A_58] : memref<1572864xf32, #tpu.memory_space<hbm>> -> memref<16384xf32, #tpu.memory_space<hbm>>
      %dma_wait3A_63 = tpu.memref_slice %arg5[%add3A_58] : memref<1572864xf32, #tpu.memory_space<hbm>> -> memref<16384xf32, #tpu.memory_space<hbm>>
      tpu.wait_dma2 semaphore(%run_scoped3A : memref<!tpu.dma_semaphore, #tpu.memory_space<semaphore_mem>>) src(%arg13 : memref<16384xf32, #tpu.memory_space<vmem>>) dst(%dma_wait3A_63 : memref<16384xf32, #tpu.memory_space<hbm>>)
      tpu.yield
    }) : () -> ()
    %add3A_59 = arith.constant 131072 : i32
    %add3A_60 = arith.addi %add3A_56, %add3A_59 : i32
    "tpu.region"() ({
      %run_scoped3A = tpu.sem_alloc : memref<!tpu.dma_semaphore, #tpu.memory_space<semaphore_mem>>
      %dma_start3A_61 = tpu.memref_slice %arg5[%add3A_60] : memref<1572864xf32, #tpu.memory_space<hbm>> -> memref<16384xf32, #tpu.memory_space<hbm>>
      %dma_start3A_62 = tpu.memref_slice %arg5[%add3A_60] : memref<1572864xf32, #tpu.memory_space<hbm>> -> memref<16384xf32, #tpu.memory_space<hbm>>
      tpu.enqueue_dma source(%arg14 : memref<16384xf32, #tpu.memory_space<vmem>>) target(%dma_start3A_62 : memref<16384xf32, #tpu.memory_space<hbm>>) target_semaphore(%run_scoped3A : memref<!tpu.dma_semaphore, #tpu.memory_space<semaphore_mem>>)
      %dma_wait3A = tpu.memref_slice %arg5[%add3A_60] : memref<1572864xf32, #tpu.memory_space<hbm>> -> memref<16384xf32, #tpu.memory_space<hbm>>
      %dma_wait3A_63 = tpu.memref_slice %arg5[%add3A_60] : memref<1572864xf32, #tpu.memory_space<hbm>> -> memref<16384xf32, #tpu.memory_space<hbm>>
      tpu.wait_dma2 semaphore(%run_scoped3A : memref<!tpu.dma_semaphore, #tpu.memory_space<semaphore_mem>>) src(%arg14 : memref<16384xf32, #tpu.memory_space<vmem>>) dst(%dma_wait3A_63 : memref<16384xf32, #tpu.memory_space<hbm>>)
      tpu.yield
    }) : () -> ()
    return
  }
}

module attributes {stable_mosaic.version = 14 : i64} {
  func.func @body(%arg0: i32, %arg1: memref<102400xf32, #tpu.memory_space<vmem>>, %arg2: memref<102400xf32, #tpu.memory_space<vmem>>, %arg3: memref<102400xf32, #tpu.memory_space<vmem>>, %arg4: memref<102400xi32, #tpu.memory_space<vmem>>) attributes {dimension_semantics = [#tpu.dimension_semantics<arbitrary>], iteration_bounds = array<i64: 8>, scalar_prefetch = 0 : i64, scratch_operands = 0 : i64, tpu.core_type = #tpu.core_type<tc>, window_params = [{transform_indices = @transform_0, window_bounds = array<i64: 102400>}, {transform_indices = @transform_1, window_bounds = array<i64: 102400>}, {transform_indices = @transform_2, window_bounds = array<i64: 102400>}, {transform_indices = @transform_3, window_bounds = array<i64: 102400>}]} {
    %get3A = arith.constant 0 : index
    %get3A_0 = vector.load %arg1[%get3A] : memref<102400xf32, #tpu.memory_space<vmem>>, vector<102400xf32>
    %get3A_1 = arith.constant 0 : index
    %get3A_2 = vector.load %arg2[%get3A_1] : memref<102400xf32, #tpu.memory_space<vmem>>, vector<102400xf32>
    %get3A_3 = arith.constant 0 : index
    %get3A_4 = vector.load %arg3[%get3A_3] : memref<102400xf32, #tpu.memory_space<vmem>>, vector<102400xf32>
    %ge3A = arith.constant -5.000000e+01 : f32
    %ge3A_5 = vector.broadcast %ge3A : f32 to vector<102400xf32>
    %ge3A_6 = arith.cmpf oge, %get3A_0, %ge3A_5 : vector<102400xf32>
    %lt3A = arith.constant 5.000000e+01 : f32
    %lt3A_7 = vector.broadcast %lt3A : f32 to vector<102400xf32>
    %lt3A_8 = arith.cmpf olt, %get3A_0, %lt3A_7 : vector<102400xf32>
    %and3A = arith.andi %ge3A_6, %lt3A_8 : vector<102400xi1>
    %ge3A_9 = arith.constant -5.000000e+01 : f32
    %ge3A_10 = vector.broadcast %ge3A_9 : f32 to vector<102400xf32>
    %ge3A_11 = arith.cmpf oge, %get3A_2, %ge3A_10 : vector<102400xf32>
    %and3A_12 = arith.andi %and3A, %ge3A_11 : vector<102400xi1>
    %lt3A_13 = arith.constant 5.000000e+01 : f32
    %lt3A_14 = vector.broadcast %lt3A_13 : f32 to vector<102400xf32>
    %lt3A_15 = arith.cmpf olt, %get3A_2, %lt3A_14 : vector<102400xf32>
    %and3A_16 = arith.andi %and3A_12, %lt3A_15 : vector<102400xi1>
    %ge3A_17 = arith.constant -3.000000e+00 : f32
    %ge3A_18 = vector.broadcast %ge3A_17 : f32 to vector<102400xf32>
    %ge3A_19 = arith.cmpf oge, %get3A_4, %ge3A_18 : vector<102400xf32>
    %and3A_20 = arith.andi %and3A_16, %ge3A_19 : vector<102400xi1>
    %lt3A_21 = arith.constant 5.000000e+00 : f32
    %lt3A_22 = vector.broadcast %lt3A_21 : f32 to vector<102400xf32>
    %lt3A_23 = arith.cmpf olt, %get3A_4, %lt3A_22 : vector<102400xf32>
    %and3A_24 = arith.andi %and3A_20, %lt3A_23 : vector<102400xi1>
    %sub3A = arith.constant -5.000000e+01 : f32
    %sub3A_25 = vector.broadcast %sub3A : f32 to vector<102400xf32>
    %sub3A_26 = arith.subf %get3A_0, %sub3A_25 : vector<102400xf32>
    %div3A = arith.constant 3.906250e-01 : f32
    %div3A_27 = vector.broadcast %div3A : f32 to vector<102400xf32>
    %div3A_28 = arith.divf %sub3A_26, %div3A_27 : vector<102400xf32>
    %convert_element_type3A = arith.fptosi %div3A_28 : vector<102400xf32> to vector<102400xi32>
    %jit3A = arith.constant 0 : i32
    %jit3A_29 = arith.constant 255 : i32
    %max3A = vector.broadcast %jit3A : i32 to vector<102400xi32>
    %max3A_30 = arith.maxsi %max3A, %convert_element_type3A : vector<102400xi32>
    %min3A = vector.broadcast %jit3A_29 : i32 to vector<102400xi32>
    %min3A_31 = arith.minsi %min3A, %max3A_30 : vector<102400xi32>
    %sub3A_32 = arith.constant -5.000000e+01 : f32
    %sub3A_33 = vector.broadcast %sub3A_32 : f32 to vector<102400xf32>
    %sub3A_34 = arith.subf %get3A_2, %sub3A_33 : vector<102400xf32>
    %div3A_35 = arith.constant 3.906250e-01 : f32
    %div3A_36 = vector.broadcast %div3A_35 : f32 to vector<102400xf32>
    %div3A_37 = arith.divf %sub3A_34, %div3A_36 : vector<102400xf32>
    %convert_element_type3A_38 = arith.fptosi %div3A_37 : vector<102400xf32> to vector<102400xi32>
    %jit3A_39 = arith.constant 0 : i32
    %jit3A_40 = arith.constant 255 : i32
    %max3A_41 = vector.broadcast %jit3A_39 : i32 to vector<102400xi32>
    %max3A_42 = arith.maxsi %max3A_41, %convert_element_type3A_38 : vector<102400xi32>
    %min3A_43 = vector.broadcast %jit3A_40 : i32 to vector<102400xi32>
    %min3A_44 = arith.minsi %min3A_43, %max3A_42 : vector<102400xi32>
    %mul3A = arith.constant 256 : i32
    %mul3A_45 = vector.broadcast %mul3A : i32 to vector<102400xi32>
    %mul3A_46 = arith.muli %min3A_44, %mul3A_45 : vector<102400xi32>
    %add3A = arith.addi %mul3A_46, %min3A_31 : vector<102400xi32>
    %jit3A_47 = arith.constant -1 : i32
    %broadcast_in_dim3A = vector.broadcast %jit3A_47 : i32 to vector<102400xi32>
    %select_n3A = arith.select %and3A_24, %add3A, %broadcast_in_dim3A : vector<102400xi1>, vector<102400xi32>
    %swap3A = arith.constant 0 : index
    %swap3A_48 = vector.load %arg4[%swap3A] : memref<102400xi32, #tpu.memory_space<vmem>>, vector<102400xi32>
    tpu.vector_store %arg4[%swap3A], %select_n3A {strides = array<i32>} : memref<102400xi32, #tpu.memory_space<vmem>>, vector<102400xi32>,
    return
  }
  func.func @transform_0(%arg0: i32) -> i32 {
    %c0_i32 = arith.constant 0 : i32
    return %arg0 : i32
  }
  func.func @transform_1(%arg0: i32) -> i32 {
    %c0_i32 = arith.constant 0 : i32
    return %arg0 : i32
  }
  func.func @transform_2(%arg0: i32) -> i32 {
    %c0_i32 = arith.constant 0 : i32
    return %arg0 : i32
  }
  func.func @transform_3(%arg0: i32) -> i32 {
    %c0_i32 = arith.constant 0 : i32
    return %arg0 : i32
  }
}

module attributes {stable_mosaic.version = 14 : i64} {
  func.func @body(%arg0: memref<8x64x256x256xf32, #tpu.memory_space<any>>, %arg1: memref<12x256x256xf32, #tpu.memory_space<vmem>>, %arg2: memref<!tpu.dma_semaphore, #tpu.memory_space<semaphore_mem>>, %arg3: memref<!tpu.dma_semaphore, #tpu.memory_space<semaphore_mem>>, %arg4: memref<!tpu.dma_semaphore, #tpu.memory_space<semaphore_mem>>, %arg5: memref<!tpu.dma_semaphore, #tpu.memory_space<semaphore_mem>>, %arg6: memref<!tpu.dma_semaphore, #tpu.memory_space<semaphore_mem>>, %arg7: memref<!tpu.dma_semaphore, #tpu.memory_space<semaphore_mem>>, %arg8: memref<!tpu.dma_semaphore, #tpu.memory_space<semaphore_mem>>, %arg9: memref<!tpu.dma_semaphore, #tpu.memory_space<semaphore_mem>>) attributes {dimension_semantics = [], scalar_prefetch = 0 : i64, scratch_operands = 9 : i64, tpu.core_type = #tpu.core_type<tc>} {
    %broadcast_in_dim3A = arith.constant 0.000000e+00 : f32
    %broadcast_in_dim3A_0 = vector.broadcast %broadcast_in_dim3A : f32 to vector<12x256x256xf32>
    %swap3A = arith.constant 0 : index
    %swap3A_1 = arith.constant 0 : index
    %swap3A_2 = arith.constant 0 : index
    %swap3A_3 = vector.load %arg1[%swap3A, %swap3A_1, %swap3A_2] : memref<12x256x256xf32, #tpu.memory_space<vmem>>, vector<12x256x256xf32>
    tpu.vector_store %arg1[%swap3A, %swap3A_1, %swap3A_2], %broadcast_in_dim3A_0 {strides = array<i32>} : memref<12x256x256xf32, #tpu.memory_space<vmem>>, vector<12x256x256xf32>,
    %dma_start3A = arith.constant 0 : i32
    %dma_start3A_4 = arith.constant 4 : i32
    %dma_start3A_5 = arith.constant 0 : i32
    %dma_start3A_6 = arith.constant 0 : i32
    %dma_start3A_7 = tpu.memref_slice %arg0[%dma_start3A, %dma_start3A_4, %dma_start3A_5, %dma_start3A_6] : memref<8x64x256x256xf32, #tpu.memory_space<any>> -> memref<1x12x256x256xf32, #tpu.memory_space<any>>
    %dma_start3A_8 = tpu.memref_squeeze %dma_start3A_7 : memref<1x12x256x256xf32, #tpu.memory_space<any>> -> memref<12x256x256xf32, #tpu.memory_space<any>>
    tpu.enqueue_dma source(%arg1 : memref<12x256x256xf32, #tpu.memory_space<vmem>>) target(%dma_start3A_8 : memref<12x256x256xf32, #tpu.memory_space<any>>) target_semaphore(%arg2 : memref<!tpu.dma_semaphore, #tpu.memory_space<semaphore_mem>>)
    %dma_start3A_9 = arith.constant 0 : i32
    %dma_start3A_10 = arith.constant 16 : i32
    %dma_start3A_11 = arith.constant 0 : i32
    %dma_start3A_12 = arith.constant 0 : i32
    %dma_start3A_13 = tpu.memref_slice %arg0[%dma_start3A_9, %dma_start3A_10, %dma_start3A_11, %dma_start3A_12] : memref<8x64x256x256xf32, #tpu.memory_space<any>> -> memref<1x12x256x256xf32, #tpu.memory_space<any>>
    %dma_start3A_14 = tpu.memref_squeeze %dma_start3A_13 : memref<1x12x256x256xf32, #tpu.memory_space<any>> -> memref<12x256x256xf32, #tpu.memory_space<any>>
    tpu.enqueue_dma source(%arg1 : memref<12x256x256xf32, #tpu.memory_space<vmem>>) target(%dma_start3A_14 : memref<12x256x256xf32, #tpu.memory_space<any>>) target_semaphore(%arg3 : memref<!tpu.dma_semaphore, #tpu.memory_space<semaphore_mem>>)
    %dma_start3A_15 = arith.constant 0 : i32
    %dma_start3A_16 = arith.constant 28 : i32
    %dma_start3A_17 = arith.constant 0 : i32
    %dma_start3A_18 = arith.constant 0 : i32
    %dma_start3A_19 = tpu.memref_slice %arg0[%dma_start3A_15, %dma_start3A_16, %dma_start3A_17, %dma_start3A_18] : memref<8x64x256x256xf32, #tpu.memory_space<any>> -> memref<1x12x256x256xf32, #tpu.memory_space<any>>
    %dma_start3A_20 = tpu.memref_squeeze %dma_start3A_19 : memref<1x12x256x256xf32, #tpu.memory_space<any>> -> memref<12x256x256xf32, #tpu.memory_space<any>>
    tpu.enqueue_dma source(%arg1 : memref<12x256x256xf32, #tpu.memory_space<vmem>>) target(%dma_start3A_20 : memref<12x256x256xf32, #tpu.memory_space<any>>) target_semaphore(%arg4 : memref<!tpu.dma_semaphore, #tpu.memory_space<semaphore_mem>>)
    %dma_start3A_21 = arith.constant 0 : i32
    %dma_start3A_22 = arith.constant 40 : i32
    %dma_start3A_23 = arith.constant 0 : i32
    %dma_start3A_24 = arith.constant 0 : i32
    %dma_start3A_25 = tpu.memref_slice %arg0[%dma_start3A_21, %dma_start3A_22, %dma_start3A_23, %dma_start3A_24] : memref<8x64x256x256xf32, #tpu.memory_space<any>> -> memref<1x12x256x256xf32, #tpu.memory_space<any>>
    %dma_start3A_26 = tpu.memref_squeeze %dma_start3A_25 : memref<1x12x256x256xf32, #tpu.memory_space<any>> -> memref<12x256x256xf32, #tpu.memory_space<any>>
    tpu.enqueue_dma source(%arg1 : memref<12x256x256xf32, #tpu.memory_space<vmem>>) target(%dma_start3A_26 : memref<12x256x256xf32, #tpu.memory_space<any>>) target_semaphore(%arg5 : memref<!tpu.dma_semaphore, #tpu.memory_space<semaphore_mem>>)
    %dma_start3A_27 = arith.constant 0 : i32
    %dma_start3A_28 = arith.constant 52 : i32
    %dma_start3A_29 = arith.constant 0 : i32
    %dma_start3A_30 = arith.constant 0 : i32
    %dma_start3A_31 = tpu.memref_slice %arg0[%dma_start3A_27, %dma_start3A_28, %dma_start3A_29, %dma_start3A_30] : memref<8x64x256x256xf32, #tpu.memory_space<any>> -> memref<1x12x256x256xf32, #tpu.memory_space<any>>
    %dma_start3A_32 = tpu.memref_squeeze %dma_start3A_31 : memref<1x12x256x256xf32, #tpu.memory_space<any>> -> memref<12x256x256xf32, #tpu.memory_space<any>>
    tpu.enqueue_dma source(%arg1 : memref<12x256x256xf32, #tpu.memory_space<vmem>>) target(%dma_start3A_32 : memref<12x256x256xf32, #tpu.memory_space<any>>) target_semaphore(%arg6 : memref<!tpu.dma_semaphore, #tpu.memory_space<semaphore_mem>>)
    %dma_start3A_33 = arith.constant 1 : i32
    %dma_start3A_34 = arith.constant 4 : i32
    %dma_start3A_35 = arith.constant 0 : i32
    %dma_start3A_36 = arith.constant 0 : i32
    %dma_start3A_37 = tpu.memref_slice %arg0[%dma_start3A_33, %dma_start3A_34, %dma_start3A_35, %dma_start3A_36] : memref<8x64x256x256xf32, #tpu.memory_space<any>> -> memref<1x12x256x256xf32, #tpu.memory_space<any>>
    %dma_start3A_38 = tpu.memref_squeeze %dma_start3A_37 : memref<1x12x256x256xf32, #tpu.memory_space<any>> -> memref<12x256x256xf32, #tpu.memory_space<any>>
    tpu.enqueue_dma source(%arg1 : memref<12x256x256xf32, #tpu.memory_space<vmem>>) target(%dma_start3A_38 : memref<12x256x256xf32, #tpu.memory_space<any>>) target_semaphore(%arg7 : memref<!tpu.dma_semaphore, #tpu.memory_space<semaphore_mem>>)
    %dma_start3A_39 = arith.constant 1 : i32
    %dma_start3A_40 = arith.constant 16 : i32
    %dma_start3A_41 = arith.constant 0 : i32
    %dma_start3A_42 = arith.constant 0 : i32
    %dma_start3A_43 = tpu.memref_slice %arg0[%dma_start3A_39, %dma_start3A_40, %dma_start3A_41, %dma_start3A_42] : memref<8x64x256x256xf32, #tpu.memory_space<any>> -> memref<1x12x256x256xf32, #tpu.memory_space<any>>
    %dma_start3A_44 = tpu.memref_squeeze %dma_start3A_43 : memref<1x12x256x256xf32, #tpu.memory_space<any>> -> memref<12x256x256xf32, #tpu.memory_space<any>>
    tpu.enqueue_dma source(%arg1 : memref<12x256x256xf32, #tpu.memory_space<vmem>>) target(%dma_start3A_44 : memref<12x256x256xf32, #tpu.memory_space<any>>) target_semaphore(%arg8 : memref<!tpu.dma_semaphore, #tpu.memory_space<semaphore_mem>>)
    %dma_start3A_45 = arith.constant 1 : i32
    %dma_start3A_46 = arith.constant 28 : i32
    %dma_start3A_47 = arith.constant 0 : i32
    %dma_start3A_48 = arith.constant 0 : i32
    %dma_start3A_49 = tpu.memref_slice %arg0[%dma_start3A_45, %dma_start3A_46, %dma_start3A_47, %dma_start3A_48] : memref<8x64x256x256xf32, #tpu.memory_space<any>> -> memref<1x12x256x256xf32, #tpu.memory_space<any>>
    %dma_start3A_50 = tpu.memref_squeeze %dma_start3A_49 : memref<1x12x256x256xf32, #tpu.memory_space<any>> -> memref<12x256x256xf32, #tpu.memory_space<any>>
    tpu.enqueue_dma source(%arg1 : memref<12x256x256xf32, #tpu.memory_space<vmem>>) target(%dma_start3A_50 : memref<12x256x256xf32, #tpu.memory_space<any>>) target_semaphore(%arg9 : memref<!tpu.dma_semaphore, #tpu.memory_space<semaphore_mem>>)
    %dma_start3A_51 = arith.constant 1 : i32
    %dma_start3A_52 = arith.constant 40 : i32
    %dma_start3A_53 = arith.constant 0 : i32
    %dma_start3A_54 = arith.constant 0 : i32
    %dma_start3A_55 = tpu.memref_slice %arg0[%dma_start3A_51, %dma_start3A_52, %dma_start3A_53, %dma_start3A_54] : memref<8x64x256x256xf32, #tpu.memory_space<any>> -> memref<1x12x256x256xf32, #tpu.memory_space<any>>
    %dma_start3A_56 = tpu.memref_squeeze %dma_start3A_55 : memref<1x12x256x256xf32, #tpu.memory_space<any>> -> memref<12x256x256xf32, #tpu.memory_space<any>>
    tpu.enqueue_dma source(%arg1 : memref<12x256x256xf32, #tpu.memory_space<vmem>>) target(%dma_start3A_56 : memref<12x256x256xf32, #tpu.memory_space<any>>) target_semaphore(%arg2 : memref<!tpu.dma_semaphore, #tpu.memory_space<semaphore_mem>>)
    %dma_start3A_57 = arith.constant 1 : i32
    %dma_start3A_58 = arith.constant 52 : i32
    %dma_start3A_59 = arith.constant 0 : i32
    %dma_start3A_60 = arith.constant 0 : i32
    %dma_start3A_61 = tpu.memref_slice %arg0[%dma_start3A_57, %dma_start3A_58, %dma_start3A_59, %dma_start3A_60] : memref<8x64x256x256xf32, #tpu.memory_space<any>> -> memref<1x12x256x256xf32, #tpu.memory_space<any>>
    %dma_start3A_62 = tpu.memref_squeeze %dma_start3A_61 : memref<1x12x256x256xf32, #tpu.memory_space<any>> -> memref<12x256x256xf32, #tpu.memory_space<any>>
    tpu.enqueue_dma source(%arg1 : memref<12x256x256xf32, #tpu.memory_space<vmem>>) target(%dma_start3A_62 : memref<12x256x256xf32, #tpu.memory_space<any>>) target_semaphore(%arg3 : memref<!tpu.dma_semaphore, #tpu.memory_space<semaphore_mem>>)
    %dma_start3A_63 = arith.constant 2 : i32
    %dma_start3A_64 = arith.constant 4 : i32
    %dma_start3A_65 = arith.constant 0 : i32
    %dma_start3A_66 = arith.constant 0 : i32
    %dma_start3A_67 = tpu.memref_slice %arg0[%dma_start3A_63, %dma_start3A_64, %dma_start3A_65, %dma_start3A_66] : memref<8x64x256x256xf32, #tpu.memory_space<any>> -> memref<1x12x256x256xf32, #tpu.memory_space<any>>
    %dma_start3A_68 = tpu.memref_squeeze %dma_start3A_67 : memref<1x12x256x256xf32, #tpu.memory_space<any>> -> memref<12x256x256xf32, #tpu.memory_space<any>>
    tpu.enqueue_dma source(%arg1 : memref<12x256x256xf32, #tpu.memory_space<vmem>>) target(%dma_start3A_68 : memref<12x256x256xf32, #tpu.memory_space<any>>) target_semaphore(%arg4 : memref<!tpu.dma_semaphore, #tpu.memory_space<semaphore_mem>>)
    %dma_start3A_69 = arith.constant 2 : i32
    %dma_start3A_70 = arith.constant 16 : i32
    %dma_start3A_71 = arith.constant 0 : i32
    %dma_start3A_72 = arith.constant 0 : i32
    %dma_start3A_73 = tpu.memref_slice %arg0[%dma_start3A_69, %dma_start3A_70, %dma_start3A_71, %dma_start3A_72] : memref<8x64x256x256xf32, #tpu.memory_space<any>> -> memref<1x12x256x256xf32, #tpu.memory_space<any>>
    %dma_start3A_74 = tpu.memref_squeeze %dma_start3A_73 : memref<1x12x256x256xf32, #tpu.memory_space<any>> -> memref<12x256x256xf32, #tpu.memory_space<any>>
    tpu.enqueue_dma source(%arg1 : memref<12x256x256xf32, #tpu.memory_space<vmem>>) target(%dma_start3A_74 : memref<12x256x256xf32, #tpu.memory_space<any>>) target_semaphore(%arg5 : memref<!tpu.dma_semaphore, #tpu.memory_space<semaphore_mem>>)
    %dma_start3A_75 = arith.constant 2 : i32
    %dma_start3A_76 = arith.constant 28 : i32
    %dma_start3A_77 = arith.constant 0 : i32
    %dma_start3A_78 = arith.constant 0 : i32
    %dma_start3A_79 = tpu.memref_slice %arg0[%dma_start3A_75, %dma_start3A_76, %dma_start3A_77, %dma_start3A_78] : memref<8x64x256x256xf32, #tpu.memory_space<any>> -> memref<1x12x256x256xf32, #tpu.memory_space<any>>
    %dma_start3A_80 = tpu.memref_squeeze %dma_start3A_79 : memref<1x12x256x256xf32, #tpu.memory_space<any>> -> memref<12x256x256xf32, #tpu.memory_space<any>>
    tpu.enqueue_dma source(%arg1 : memref<12x256x256xf32, #tpu.memory_space<vmem>>) target(%dma_start3A_80 : memref<12x256x256xf32, #tpu.memory_space<any>>) target_semaphore(%arg6 : memref<!tpu.dma_semaphore, #tpu.memory_space<semaphore_mem>>)
    %dma_start3A_81 = arith.constant 2 : i32
    %dma_start3A_82 = arith.constant 40 : i32
    %dma_start3A_83 = arith.constant 0 : i32
    %dma_start3A_84 = arith.constant 0 : i32
    %dma_start3A_85 = tpu.memref_slice %arg0[%dma_start3A_81, %dma_start3A_82, %dma_start3A_83, %dma_start3A_84] : memref<8x64x256x256xf32, #tpu.memory_space<any>> -> memref<1x12x256x256xf32, #tpu.memory_space<any>>
    %dma_start3A_86 = tpu.memref_squeeze %dma_start3A_85 : memref<1x12x256x256xf32, #tpu.memory_space<any>> -> memref<12x256x256xf32, #tpu.memory_space<any>>
    tpu.enqueue_dma source(%arg1 : memref<12x256x256xf32, #tpu.memory_space<vmem>>) target(%dma_start3A_86 : memref<12x256x256xf32, #tpu.memory_space<any>>) target_semaphore(%arg7 : memref<!tpu.dma_semaphore, #tpu.memory_space<semaphore_mem>>)
    %dma_start3A_87 = arith.constant 2 : i32
    %dma_start3A_88 = arith.constant 52 : i32
    %dma_start3A_89 = arith.constant 0 : i32
    %dma_start3A_90 = arith.constant 0 : i32
    %dma_start3A_91 = tpu.memref_slice %arg0[%dma_start3A_87, %dma_start3A_88, %dma_start3A_89, %dma_start3A_90] : memref<8x64x256x256xf32, #tpu.memory_space<any>> -> memref<1x12x256x256xf32, #tpu.memory_space<any>>
    %dma_start3A_92 = tpu.memref_squeeze %dma_start3A_91 : memref<1x12x256x256xf32, #tpu.memory_space<any>> -> memref<12x256x256xf32, #tpu.memory_space<any>>
    tpu.enqueue_dma source(%arg1 : memref<12x256x256xf32, #tpu.memory_space<vmem>>) target(%dma_start3A_92 : memref<12x256x256xf32, #tpu.memory_space<any>>) target_semaphore(%arg8 : memref<!tpu.dma_semaphore, #tpu.memory_space<semaphore_mem>>)
    %dma_start3A_93 = arith.constant 3 : i32
    %dma_start3A_94 = arith.constant 4 : i32
    %dma_start3A_95 = arith.constant 0 : i32
    %dma_start3A_96 = arith.constant 0 : i32
    %dma_start3A_97 = tpu.memref_slice %arg0[%dma_start3A_93, %dma_start3A_94, %dma_start3A_95, %dma_start3A_96] : memref<8x64x256x256xf32, #tpu.memory_space<any>> -> memref<1x12x256x256xf32, #tpu.memory_space<any>>
    %dma_start3A_98 = tpu.memref_squeeze %dma_start3A_97 : memref<1x12x256x256xf32, #tpu.memory_space<any>> -> memref<12x256x256xf32, #tpu.memory_space<any>>
    tpu.enqueue_dma source(%arg1 : memref<12x256x256xf32, #tpu.memory_space<vmem>>) target(%dma_start3A_98 : memref<12x256x256xf32, #tpu.memory_space<any>>) target_semaphore(%arg9 : memref<!tpu.dma_semaphore, #tpu.memory_space<semaphore_mem>>)
    %dma_start3A_99 = arith.constant 3 : i32
    %dma_start3A_100 = arith.constant 16 : i32
    %dma_start3A_101 = arith.constant 0 : i32
    %dma_start3A_102 = arith.constant 0 : i32
    %dma_start3A_103 = tpu.memref_slice %arg0[%dma_start3A_99, %dma_start3A_100, %dma_start3A_101, %dma_start3A_102] : memref<8x64x256x256xf32, #tpu.memory_space<any>> -> memref<1x12x256x256xf32, #tpu.memory_space<any>>
    %dma_start3A_104 = tpu.memref_squeeze %dma_start3A_103 : memref<1x12x256x256xf32, #tpu.memory_space<any>> -> memref<12x256x256xf32, #tpu.memory_space<any>>
    tpu.enqueue_dma source(%arg1 : memref<12x256x256xf32, #tpu.memory_space<vmem>>) target(%dma_start3A_104 : memref<12x256x256xf32, #tpu.memory_space<any>>) target_semaphore(%arg2 : memref<!tpu.dma_semaphore, #tpu.memory_space<semaphore_mem>>)
    %dma_start3A_105 = arith.constant 3 : i32
    %dma_start3A_106 = arith.constant 28 : i32
    %dma_start3A_107 = arith.constant 0 : i32
    %dma_start3A_108 = arith.constant 0 : i32
    %dma_start3A_109 = tpu.memref_slice %arg0[%dma_start3A_105, %dma_start3A_106, %dma_start3A_107, %dma_start3A_108] : memref<8x64x256x256xf32, #tpu.memory_space<any>> -> memref<1x12x256x256xf32, #tpu.memory_space<any>>
    %dma_start3A_110 = tpu.memref_squeeze %dma_start3A_109 : memref<1x12x256x256xf32, #tpu.memory_space<any>> -> memref<12x256x256xf32, #tpu.memory_space<any>>
    tpu.enqueue_dma source(%arg1 : memref<12x256x256xf32, #tpu.memory_space<vmem>>) target(%dma_start3A_110 : memref<12x256x256xf32, #tpu.memory_space<any>>) target_semaphore(%arg3 : memref<!tpu.dma_semaphore, #tpu.memory_space<semaphore_mem>>)
    %dma_start3A_111 = arith.constant 3 : i32
    %dma_start3A_112 = arith.constant 40 : i32
    %dma_start3A_113 = arith.constant 0 : i32
    %dma_start3A_114 = arith.constant 0 : i32
    %dma_start3A_115 = tpu.memref_slice %arg0[%dma_start3A_111, %dma_start3A_112, %dma_start3A_113, %dma_start3A_114] : memref<8x64x256x256xf32, #tpu.memory_space<any>> -> memref<1x12x256x256xf32, #tpu.memory_space<any>>
    %dma_start3A_116 = tpu.memref_squeeze %dma_start3A_115 : memref<1x12x256x256xf32, #tpu.memory_space<any>> -> memref<12x256x256xf32, #tpu.memory_space<any>>
    tpu.enqueue_dma source(%arg1 : memref<12x256x256xf32, #tpu.memory_space<vmem>>) target(%dma_start3A_116 : memref<12x256x256xf32, #tpu.memory_space<any>>) target_semaphore(%arg4 : memref<!tpu.dma_semaphore, #tpu.memory_space<semaphore_mem>>)
    %dma_start3A_117 = arith.constant 3 : i32
    %dma_start3A_118 = arith.constant 52 : i32
    %dma_start3A_119 = arith.constant 0 : i32
    %dma_start3A_120 = arith.constant 0 : i32
    %dma_start3A_121 = tpu.memref_slice %arg0[%dma_start3A_117, %dma_start3A_118, %dma_start3A_119, %dma_start3A_120] : memref<8x64x256x256xf32, #tpu.memory_space<any>> -> memref<1x12x256x256xf32, #tpu.memory_space<any>>
    %dma_start3A_122 = tpu.memref_squeeze %dma_start3A_121 : memref<1x12x256x256xf32, #tpu.memory_space<any>> -> memref<12x256x256xf32, #tpu.memory_space<any>>
    tpu.enqueue_dma source(%arg1 : memref<12x256x256xf32, #tpu.memory_space<vmem>>) target(%dma_start3A_122 : memref<12x256x256xf32, #tpu.memory_space<any>>) target_semaphore(%arg5 : memref<!tpu.dma_semaphore, #tpu.memory_space<semaphore_mem>>)
    %dma_start3A_123 = arith.constant 4 : i32
    %dma_start3A_124 = arith.constant 4 : i32
    %dma_start3A_125 = arith.constant 0 : i32
    %dma_start3A_126 = arith.constant 0 : i32
    %dma_start3A_127 = tpu.memref_slice %arg0[%dma_start3A_123, %dma_start3A_124, %dma_start3A_125, %dma_start3A_126] : memref<8x64x256x256xf32, #tpu.memory_space<any>> -> memref<1x12x256x256xf32, #tpu.memory_space<any>>
    %dma_start3A_128 = tpu.memref_squeeze %dma_start3A_127 : memref<1x12x256x256xf32, #tpu.memory_space<any>> -> memref<12x256x256xf32, #tpu.memory_space<any>>
    tpu.enqueue_dma source(%arg1 : memref<12x256x256xf32, #tpu.memory_space<vmem>>) target(%dma_start3A_128 : memref<12x256x256xf32, #tpu.memory_space<any>>) target_semaphore(%arg6 : memref<!tpu.dma_semaphore, #tpu.memory_space<semaphore_mem>>)
    %dma_start3A_129 = arith.constant 4 : i32
    %dma_start3A_130 = arith.constant 16 : i32
    %dma_start3A_131 = arith.constant 0 : i32
    %dma_start3A_132 = arith.constant 0 : i32
    %dma_start3A_133 = tpu.memref_slice %arg0[%dma_start3A_129, %dma_start3A_130, %dma_start3A_131, %dma_start3A_132] : memref<8x64x256x256xf32, #tpu.memory_space<any>> -> memref<1x12x256x256xf32, #tpu.memory_space<any>>
    %dma_start3A_134 = tpu.memref_squeeze %dma_start3A_133 : memref<1x12x256x256xf32, #tpu.memory_space<any>> -> memref<12x256x256xf32, #tpu.memory_space<any>>
    tpu.enqueue_dma source(%arg1 : memref<12x256x256xf32, #tpu.memory_space<vmem>>) target(%dma_start3A_134 : memref<12x256x256xf32, #tpu.memory_space<any>>) target_semaphore(%arg7 : memref<!tpu.dma_semaphore, #tpu.memory_space<semaphore_mem>>)
    %dma_start3A_135 = arith.constant 4 : i32
    %dma_start3A_136 = arith.constant 28 : i32
    %dma_start3A_137 = arith.constant 0 : i32
    %dma_start3A_138 = arith.constant 0 : i32
    %dma_start3A_139 = tpu.memref_slice %arg0[%dma_start3A_135, %dma_start3A_136, %dma_start3A_137, %dma_start3A_138] : memref<8x64x256x256xf32, #tpu.memory_space<any>> -> memref<1x12x256x256xf32, #tpu.memory_space<any>>
    %dma_start3A_140 = tpu.memref_squeeze %dma_start3A_139 : memref<1x12x256x256xf32, #tpu.memory_space<any>> -> memref<12x256x256xf32, #tpu.memory_space<any>>
    tpu.enqueue_dma source(%arg1 : memref<12x256x256xf32, #tpu.memory_space<vmem>>) target(%dma_start3A_140 : memref<12x256x256xf32, #tpu.memory_space<any>>) target_semaphore(%arg8 : memref<!tpu.dma_semaphore, #tpu.memory_space<semaphore_mem>>)
    %dma_start3A_141 = arith.constant 4 : i32
    %dma_start3A_142 = arith.constant 40 : i32
    %dma_start3A_143 = arith.constant 0 : i32
    %dma_start3A_144 = arith.constant 0 : i32
    %dma_start3A_145 = tpu.memref_slice %arg0[%dma_start3A_141, %dma_start3A_142, %dma_start3A_143, %dma_start3A_144] : memref<8x64x256x256xf32, #tpu.memory_space<any>> -> memref<1x12x256x256xf32, #tpu.memory_space<any>>
    %dma_start3A_146 = tpu.memref_squeeze %dma_start3A_145 : memref<1x12x256x256xf32, #tpu.memory_space<any>> -> memref<12x256x256xf32, #tpu.memory_space<any>>
    tpu.enqueue_dma source(%arg1 : memref<12x256x256xf32, #tpu.memory_space<vmem>>) target(%dma_start3A_146 : memref<12x256x256xf32, #tpu.memory_space<any>>) target_semaphore(%arg9 : memref<!tpu.dma_semaphore, #tpu.memory_space<semaphore_mem>>)
    %dma_start3A_147 = arith.constant 4 : i32
    %dma_start3A_148 = arith.constant 52 : i32
    %dma_start3A_149 = arith.constant 0 : i32
    %dma_start3A_150 = arith.constant 0 : i32
    %dma_start3A_151 = tpu.memref_slice %arg0[%dma_start3A_147, %dma_start3A_148, %dma_start3A_149, %dma_start3A_150] : memref<8x64x256x256xf32, #tpu.memory_space<any>> -> memref<1x12x256x256xf32, #tpu.memory_space<any>>
    %dma_start3A_152 = tpu.memref_squeeze %dma_start3A_151 : memref<1x12x256x256xf32, #tpu.memory_space<any>> -> memref<12x256x256xf32, #tpu.memory_space<any>>
    tpu.enqueue_dma source(%arg1 : memref<12x256x256xf32, #tpu.memory_space<vmem>>) target(%dma_start3A_152 : memref<12x256x256xf32, #tpu.memory_space<any>>) target_semaphore(%arg2 : memref<!tpu.dma_semaphore, #tpu.memory_space<semaphore_mem>>)
    %dma_start3A_153 = arith.constant 5 : i32
    %dma_start3A_154 = arith.constant 4 : i32
    %dma_start3A_155 = arith.constant 0 : i32
    %dma_start3A_156 = arith.constant 0 : i32
    %dma_start3A_157 = tpu.memref_slice %arg0[%dma_start3A_153, %dma_start3A_154, %dma_start3A_155, %dma_start3A_156] : memref<8x64x256x256xf32, #tpu.memory_space<any>> -> memref<1x12x256x256xf32, #tpu.memory_space<any>>
    %dma_start3A_158 = tpu.memref_squeeze %dma_start3A_157 : memref<1x12x256x256xf32, #tpu.memory_space<any>> -> memref<12x256x256xf32, #tpu.memory_space<any>>
    tpu.enqueue_dma source(%arg1 : memref<12x256x256xf32, #tpu.memory_space<vmem>>) target(%dma_start3A_158 : memref<12x256x256xf32, #tpu.memory_space<any>>) target_semaphore(%arg3 : memref<!tpu.dma_semaphore, #tpu.memory_space<semaphore_mem>>)
    %dma_start3A_159 = arith.constant 5 : i32
    %dma_start3A_160 = arith.constant 16 : i32
    %dma_start3A_161 = arith.constant 0 : i32
    %dma_start3A_162 = arith.constant 0 : i32
    %dma_start3A_163 = tpu.memref_slice %arg0[%dma_start3A_159, %dma_start3A_160, %dma_start3A_161, %dma_start3A_162] : memref<8x64x256x256xf32, #tpu.memory_space<any>> -> memref<1x12x256x256xf32, #tpu.memory_space<any>>
    %dma_start3A_164 = tpu.memref_squeeze %dma_start3A_163 : memref<1x12x256x256xf32, #tpu.memory_space<any>> -> memref<12x256x256xf32, #tpu.memory_space<any>>
    tpu.enqueue_dma source(%arg1 : memref<12x256x256xf32, #tpu.memory_space<vmem>>) target(%dma_start3A_164 : memref<12x256x256xf32, #tpu.memory_space<any>>) target_semaphore(%arg4 : memref<!tpu.dma_semaphore, #tpu.memory_space<semaphore_mem>>)
    %dma_start3A_165 = arith.constant 5 : i32
    %dma_start3A_166 = arith.constant 28 : i32
    %dma_start3A_167 = arith.constant 0 : i32
    %dma_start3A_168 = arith.constant 0 : i32
    %dma_start3A_169 = tpu.memref_slice %arg0[%dma_start3A_165, %dma_start3A_166, %dma_start3A_167, %dma_start3A_168] : memref<8x64x256x256xf32, #tpu.memory_space<any>> -> memref<1x12x256x256xf32, #tpu.memory_space<any>>
    %dma_start3A_170 = tpu.memref_squeeze %dma_start3A_169 : memref<1x12x256x256xf32, #tpu.memory_space<any>> -> memref<12x256x256xf32, #tpu.memory_space<any>>
    tpu.enqueue_dma source(%arg1 : memref<12x256x256xf32, #tpu.memory_space<vmem>>) target(%dma_start3A_170 : memref<12x256x256xf32, #tpu.memory_space<any>>) target_semaphore(%arg5 : memref<!tpu.dma_semaphore, #tpu.memory_space<semaphore_mem>>)
    %dma_start3A_171 = arith.constant 5 : i32
    %dma_start3A_172 = arith.constant 40 : i32
    %dma_start3A_173 = arith.constant 0 : i32
    %dma_start3A_174 = arith.constant 0 : i32
    %dma_start3A_175 = tpu.memref_slice %arg0[%dma_start3A_171, %dma_start3A_172, %dma_start3A_173, %dma_start3A_174] : memref<8x64x256x256xf32, #tpu.memory_space<any>> -> memref<1x12x256x256xf32, #tpu.memory_space<any>>
    %dma_start3A_176 = tpu.memref_squeeze %dma_start3A_175 : memref<1x12x256x256xf32, #tpu.memory_space<any>> -> memref<12x256x256xf32, #tpu.memory_space<any>>
    tpu.enqueue_dma source(%arg1 : memref<12x256x256xf32, #tpu.memory_space<vmem>>) target(%dma_start3A_176 : memref<12x256x256xf32, #tpu.memory_space<any>>) target_semaphore(%arg6 : memref<!tpu.dma_semaphore, #tpu.memory_space<semaphore_mem>>)
    %dma_start3A_177 = arith.constant 5 : i32
    %dma_start3A_178 = arith.constant 52 : i32
    %dma_start3A_179 = arith.constant 0 : i32
    %dma_start3A_180 = arith.constant 0 : i32
    %dma_start3A_181 = tpu.memref_slice %arg0[%dma_start3A_177, %dma_start3A_178, %dma_start3A_179, %dma_start3A_180] : memref<8x64x256x256xf32, #tpu.memory_space<any>> -> memref<1x12x256x256xf32, #tpu.memory_space<any>>
    %dma_start3A_182 = tpu.memref_squeeze %dma_start3A_181 : memref<1x12x256x256xf32, #tpu.memory_space<any>> -> memref<12x256x256xf32, #tpu.memory_space<any>>
    tpu.enqueue_dma source(%arg1 : memref<12x256x256xf32, #tpu.memory_space<vmem>>) target(%dma_start3A_182 : memref<12x256x256xf32, #tpu.memory_space<any>>) target_semaphore(%arg7 : memref<!tpu.dma_semaphore, #tpu.memory_space<semaphore_mem>>)
    %dma_start3A_183 = arith.constant 6 : i32
    %dma_start3A_184 = arith.constant 4 : i32
    %dma_start3A_185 = arith.constant 0 : i32
    %dma_start3A_186 = arith.constant 0 : i32
    %dma_start3A_187 = tpu.memref_slice %arg0[%dma_start3A_183, %dma_start3A_184, %dma_start3A_185, %dma_start3A_186] : memref<8x64x256x256xf32, #tpu.memory_space<any>> -> memref<1x12x256x256xf32, #tpu.memory_space<any>>
    %dma_start3A_188 = tpu.memref_squeeze %dma_start3A_187 : memref<1x12x256x256xf32, #tpu.memory_space<any>> -> memref<12x256x256xf32, #tpu.memory_space<any>>
    tpu.enqueue_dma source(%arg1 : memref<12x256x256xf32, #tpu.memory_space<vmem>>) target(%dma_start3A_188 : memref<12x256x256xf32, #tpu.memory_space<any>>) target_semaphore(%arg8 : memref<!tpu.dma_semaphore, #tpu.memory_space<semaphore_mem>>)
    %dma_start3A_189 = arith.constant 6 : i32
    %dma_start3A_190 = arith.constant 16 : i32
    %dma_start3A_191 = arith.constant 0 : i32
    %dma_start3A_192 = arith.constant 0 : i32
    %dma_start3A_193 = tpu.memref_slice %arg0[%dma_start3A_189, %dma_start3A_190, %dma_start3A_191, %dma_start3A_192] : memref<8x64x256x256xf32, #tpu.memory_space<any>> -> memref<1x12x256x256xf32, #tpu.memory_space<any>>
    %dma_start3A_194 = tpu.memref_squeeze %dma_start3A_193 : memref<1x12x256x256xf32, #tpu.memory_space<any>> -> memref<12x256x256xf32, #tpu.memory_space<any>>
    tpu.enqueue_dma source(%arg1 : memref<12x256x256xf32, #tpu.memory_space<vmem>>) target(%dma_start3A_194 : memref<12x256x256xf32, #tpu.memory_space<any>>) target_semaphore(%arg9 : memref<!tpu.dma_semaphore, #tpu.memory_space<semaphore_mem>>)
    %dma_start3A_195 = arith.constant 6 : i32
    %dma_start3A_196 = arith.constant 28 : i32
    %dma_start3A_197 = arith.constant 0 : i32
    %dma_start3A_198 = arith.constant 0 : i32
    %dma_start3A_199 = tpu.memref_slice %arg0[%dma_start3A_195, %dma_start3A_196, %dma_start3A_197, %dma_start3A_198] : memref<8x64x256x256xf32, #tpu.memory_space<any>> -> memref<1x12x256x256xf32, #tpu.memory_space<any>>
    %dma_start3A_200 = tpu.memref_squeeze %dma_start3A_199 : memref<1x12x256x256xf32, #tpu.memory_space<any>> -> memref<12x256x256xf32, #tpu.memory_space<any>>
    tpu.enqueue_dma source(%arg1 : memref<12x256x256xf32, #tpu.memory_space<vmem>>) target(%dma_start3A_200 : memref<12x256x256xf32, #tpu.memory_space<any>>) target_semaphore(%arg2 : memref<!tpu.dma_semaphore, #tpu.memory_space<semaphore_mem>>)
    %dma_start3A_201 = arith.constant 6 : i32
    %dma_start3A_202 = arith.constant 40 : i32
    %dma_start3A_203 = arith.constant 0 : i32
    %dma_start3A_204 = arith.constant 0 : i32
    %dma_start3A_205 = tpu.memref_slice %arg0[%dma_start3A_201, %dma_start3A_202, %dma_start3A_203, %dma_start3A_204] : memref<8x64x256x256xf32, #tpu.memory_space<any>> -> memref<1x12x256x256xf32, #tpu.memory_space<any>>
    %dma_start3A_206 = tpu.memref_squeeze %dma_start3A_205 : memref<1x12x256x256xf32, #tpu.memory_space<any>> -> memref<12x256x256xf32, #tpu.memory_space<any>>
    tpu.enqueue_dma source(%arg1 : memref<12x256x256xf32, #tpu.memory_space<vmem>>) target(%dma_start3A_206 : memref<12x256x256xf32, #tpu.memory_space<any>>) target_semaphore(%arg3 : memref<!tpu.dma_semaphore, #tpu.memory_space<semaphore_mem>>)
    %dma_start3A_207 = arith.constant 6 : i32
    %dma_start3A_208 = arith.constant 52 : i32
    %dma_start3A_209 = arith.constant 0 : i32
    %dma_start3A_210 = arith.constant 0 : i32
    %dma_start3A_211 = tpu.memref_slice %arg0[%dma_start3A_207, %dma_start3A_208, %dma_start3A_209, %dma_start3A_210] : memref<8x64x256x256xf32, #tpu.memory_space<any>> -> memref<1x12x256x256xf32, #tpu.memory_space<any>>
    %dma_start3A_212 = tpu.memref_squeeze %dma_start3A_211 : memref<1x12x256x256xf32, #tpu.memory_space<any>> -> memref<12x256x256xf32, #tpu.memory_space<any>>
    tpu.enqueue_dma source(%arg1 : memref<12x256x256xf32, #tpu.memory_space<vmem>>) target(%dma_start3A_212 : memref<12x256x256xf32, #tpu.memory_space<any>>) target_semaphore(%arg4 : memref<!tpu.dma_semaphore, #tpu.memory_space<semaphore_mem>>)
    %dma_start3A_213 = arith.constant 7 : i32
    %dma_start3A_214 = arith.constant 4 : i32
    %dma_start3A_215 = arith.constant 0 : i32
    %dma_start3A_216 = arith.constant 0 : i32
    %dma_start3A_217 = tpu.memref_slice %arg0[%dma_start3A_213, %dma_start3A_214, %dma_start3A_215, %dma_start3A_216] : memref<8x64x256x256xf32, #tpu.memory_space<any>> -> memref<1x12x256x256xf32, #tpu.memory_space<any>>
    %dma_start3A_218 = tpu.memref_squeeze %dma_start3A_217 : memref<1x12x256x256xf32, #tpu.memory_space<any>> -> memref<12x256x256xf32, #tpu.memory_space<any>>
    tpu.enqueue_dma source(%arg1 : memref<12x256x256xf32, #tpu.memory_space<vmem>>) target(%dma_start3A_218 : memref<12x256x256xf32, #tpu.memory_space<any>>) target_semaphore(%arg5 : memref<!tpu.dma_semaphore, #tpu.memory_space<semaphore_mem>>)
    %dma_start3A_219 = arith.constant 7 : i32
    %dma_start3A_220 = arith.constant 16 : i32
    %dma_start3A_221 = arith.constant 0 : i32
    %dma_start3A_222 = arith.constant 0 : i32
    %dma_start3A_223 = tpu.memref_slice %arg0[%dma_start3A_219, %dma_start3A_220, %dma_start3A_221, %dma_start3A_222] : memref<8x64x256x256xf32, #tpu.memory_space<any>> -> memref<1x12x256x256xf32, #tpu.memory_space<any>>
    %dma_start3A_224 = tpu.memref_squeeze %dma_start3A_223 : memref<1x12x256x256xf32, #tpu.memory_space<any>> -> memref<12x256x256xf32, #tpu.memory_space<any>>
    tpu.enqueue_dma source(%arg1 : memref<12x256x256xf32, #tpu.memory_space<vmem>>) target(%dma_start3A_224 : memref<12x256x256xf32, #tpu.memory_space<any>>) target_semaphore(%arg6 : memref<!tpu.dma_semaphore, #tpu.memory_space<semaphore_mem>>)
    %dma_start3A_225 = arith.constant 7 : i32
    %dma_start3A_226 = arith.constant 28 : i32
    %dma_start3A_227 = arith.constant 0 : i32
    %dma_start3A_228 = arith.constant 0 : i32
    %dma_start3A_229 = tpu.memref_slice %arg0[%dma_start3A_225, %dma_start3A_226, %dma_start3A_227, %dma_start3A_228] : memref<8x64x256x256xf32, #tpu.memory_space<any>> -> memref<1x12x256x256xf32, #tpu.memory_space<any>>
    %dma_start3A_230 = tpu.memref_squeeze %dma_start3A_229 : memref<1x12x256x256xf32, #tpu.memory_space<any>> -> memref<12x256x256xf32, #tpu.memory_space<any>>
    tpu.enqueue_dma source(%arg1 : memref<12x256x256xf32, #tpu.memory_space<vmem>>) target(%dma_start3A_230 : memref<12x256x256xf32, #tpu.memory_space<any>>) target_semaphore(%arg7 : memref<!tpu.dma_semaphore, #tpu.memory_space<semaphore_mem>>)
    %dma_start3A_231 = arith.constant 7 : i32
    %dma_start3A_232 = arith.constant 40 : i32
    %dma_start3A_233 = arith.constant 0 : i32
    %dma_start3A_234 = arith.constant 0 : i32
    %dma_start3A_235 = tpu.memref_slice %arg0[%dma_start3A_231, %dma_start3A_232, %dma_start3A_233, %dma_start3A_234] : memref<8x64x256x256xf32, #tpu.memory_space<any>> -> memref<1x12x256x256xf32, #tpu.memory_space<any>>
    %dma_start3A_236 = tpu.memref_squeeze %dma_start3A_235 : memref<1x12x256x256xf32, #tpu.memory_space<any>> -> memref<12x256x256xf32, #tpu.memory_space<any>>
    tpu.enqueue_dma source(%arg1 : memref<12x256x256xf32, #tpu.memory_space<vmem>>) target(%dma_start3A_236 : memref<12x256x256xf32, #tpu.memory_space<any>>) target_semaphore(%arg8 : memref<!tpu.dma_semaphore, #tpu.memory_space<semaphore_mem>>)
    %dma_start3A_237 = arith.constant 7 : i32
    %dma_start3A_238 = arith.constant 52 : i32
    %dma_start3A_239 = arith.constant 0 : i32
    %dma_start3A_240 = arith.constant 0 : i32
    %dma_start3A_241 = tpu.memref_slice %arg0[%dma_start3A_237, %dma_start3A_238, %dma_start3A_239, %dma_start3A_240] : memref<8x64x256x256xf32, #tpu.memory_space<any>> -> memref<1x12x256x256xf32, #tpu.memory_space<any>>
    %dma_start3A_242 = tpu.memref_squeeze %dma_start3A_241 : memref<1x12x256x256xf32, #tpu.memory_space<any>> -> memref<12x256x256xf32, #tpu.memory_space<any>>
    tpu.enqueue_dma source(%arg1 : memref<12x256x256xf32, #tpu.memory_space<vmem>>) target(%dma_start3A_242 : memref<12x256x256xf32, #tpu.memory_space<any>>) target_semaphore(%arg9 : memref<!tpu.dma_semaphore, #tpu.memory_space<semaphore_mem>>)
    %dma_wait3A = arith.constant 0 : i32
    %dma_wait3A_243 = arith.constant 4 : i32
    %dma_wait3A_244 = arith.constant 0 : i32
    %dma_wait3A_245 = arith.constant 0 : i32
    %dma_wait3A_246 = tpu.memref_slice %arg0[%dma_wait3A, %dma_wait3A_243, %dma_wait3A_244, %dma_wait3A_245] : memref<8x64x256x256xf32, #tpu.memory_space<any>> -> memref<1x12x256x256xf32, #tpu.memory_space<any>>
    %dma_wait3A_247 = tpu.memref_squeeze %dma_wait3A_246 : memref<1x12x256x256xf32, #tpu.memory_space<any>> -> memref<12x256x256xf32, #tpu.memory_space<any>>
    tpu.wait_dma2 semaphore(%arg2 : memref<!tpu.dma_semaphore, #tpu.memory_space<semaphore_mem>>) src(%arg1 : memref<12x256x256xf32, #tpu.memory_space<vmem>>) dst(%dma_wait3A_247 : memref<12x256x256xf32, #tpu.memory_space<any>>)
    %dma_wait3A_248 = arith.constant 0 : i32
    %dma_wait3A_249 = arith.constant 16 : i32
    %dma_wait3A_250 = arith.constant 0 : i32
    %dma_wait3A_251 = arith.constant 0 : i32
    %dma_wait3A_252 = tpu.memref_slice %arg0[%dma_wait3A_248, %dma_wait3A_249, %dma_wait3A_250, %dma_wait3A_251] : memref<8x64x256x256xf32, #tpu.memory_space<any>> -> memref<1x12x256x256xf32, #tpu.memory_space<any>>
    %dma_wait3A_253 = tpu.memref_squeeze %dma_wait3A_252 : memref<1x12x256x256xf32, #tpu.memory_space<any>> -> memref<12x256x256xf32, #tpu.memory_space<any>>
    tpu.wait_dma2 semaphore(%arg3 : memref<!tpu.dma_semaphore, #tpu.memory_space<semaphore_mem>>) src(%arg1 : memref<12x256x256xf32, #tpu.memory_space<vmem>>) dst(%dma_wait3A_253 : memref<12x256x256xf32, #tpu.memory_space<any>>)
    %dma_wait3A_254 = arith.constant 0 : i32
    %dma_wait3A_255 = arith.constant 28 : i32
    %dma_wait3A_256 = arith.constant 0 : i32
    %dma_wait3A_257 = arith.constant 0 : i32
    %dma_wait3A_258 = tpu.memref_slice %arg0[%dma_wait3A_254, %dma_wait3A_255, %dma_wait3A_256, %dma_wait3A_257] : memref<8x64x256x256xf32, #tpu.memory_space<any>> -> memref<1x12x256x256xf32, #tpu.memory_space<any>>
    %dma_wait3A_259 = tpu.memref_squeeze %dma_wait3A_258 : memref<1x12x256x256xf32, #tpu.memory_space<any>> -> memref<12x256x256xf32, #tpu.memory_space<any>>
    tpu.wait_dma2 semaphore(%arg4 : memref<!tpu.dma_semaphore, #tpu.memory_space<semaphore_mem>>) src(%arg1 : memref<12x256x256xf32, #tpu.memory_space<vmem>>) dst(%dma_wait3A_259 : memref<12x256x256xf32, #tpu.memory_space<any>>)
    %dma_wait3A_260 = arith.constant 0 : i32
    %dma_wait3A_261 = arith.constant 40 : i32
    %dma_wait3A_262 = arith.constant 0 : i32
    %dma_wait3A_263 = arith.constant 0 : i32
    %dma_wait3A_264 = tpu.memref_slice %arg0[%dma_wait3A_260, %dma_wait3A_261, %dma_wait3A_262, %dma_wait3A_263] : memref<8x64x256x256xf32, #tpu.memory_space<any>> -> memref<1x12x256x256xf32, #tpu.memory_space<any>>
    %dma_wait3A_265 = tpu.memref_squeeze %dma_wait3A_264 : memref<1x12x256x256xf32, #tpu.memory_space<any>> -> memref<12x256x256xf32, #tpu.memory_space<any>>
    tpu.wait_dma2 semaphore(%arg5 : memref<!tpu.dma_semaphore, #tpu.memory_space<semaphore_mem>>) src(%arg1 : memref<12x256x256xf32, #tpu.memory_space<vmem>>) dst(%dma_wait3A_265 : memref<12x256x256xf32, #tpu.memory_space<any>>)
    %dma_wait3A_266 = arith.constant 0 : i32
    %dma_wait3A_267 = arith.constant 52 : i32
    %dma_wait3A_268 = arith.constant 0 : i32
    %dma_wait3A_269 = arith.constant 0 : i32
    %dma_wait3A_270 = tpu.memref_slice %arg0[%dma_wait3A_266, %dma_wait3A_267, %dma_wait3A_268, %dma_wait3A_269] : memref<8x64x256x256xf32, #tpu.memory_space<any>> -> memref<1x12x256x256xf32, #tpu.memory_space<any>>
    %dma_wait3A_271 = tpu.memref_squeeze %dma_wait3A_270 : memref<1x12x256x256xf32, #tpu.memory_space<any>> -> memref<12x256x256xf32, #tpu.memory_space<any>>
    tpu.wait_dma2 semaphore(%arg6 : memref<!tpu.dma_semaphore, #tpu.memory_space<semaphore_mem>>) src(%arg1 : memref<12x256x256xf32, #tpu.memory_space<vmem>>) dst(%dma_wait3A_271 : memref<12x256x256xf32, #tpu.memory_space<any>>)
    %dma_wait3A_272 = arith.constant 1 : i32
    %dma_wait3A_273 = arith.constant 4 : i32
    %dma_wait3A_274 = arith.constant 0 : i32
    %dma_wait3A_275 = arith.constant 0 : i32
    %dma_wait3A_276 = tpu.memref_slice %arg0[%dma_wait3A_272, %dma_wait3A_273, %dma_wait3A_274, %dma_wait3A_275] : memref<8x64x256x256xf32, #tpu.memory_space<any>> -> memref<1x12x256x256xf32, #tpu.memory_space<any>>
    %dma_wait3A_277 = tpu.memref_squeeze %dma_wait3A_276 : memref<1x12x256x256xf32, #tpu.memory_space<any>> -> memref<12x256x256xf32, #tpu.memory_space<any>>
    tpu.wait_dma2 semaphore(%arg7 : memref<!tpu.dma_semaphore, #tpu.memory_space<semaphore_mem>>) src(%arg1 : memref<12x256x256xf32, #tpu.memory_space<vmem>>) dst(%dma_wait3A_277 : memref<12x256x256xf32, #tpu.memory_space<any>>)
    %dma_wait3A_278 = arith.constant 1 : i32
    %dma_wait3A_279 = arith.constant 16 : i32
    %dma_wait3A_280 = arith.constant 0 : i32
    %dma_wait3A_281 = arith.constant 0 : i32
    %dma_wait3A_282 = tpu.memref_slice %arg0[%dma_wait3A_278, %dma_wait3A_279, %dma_wait3A_280, %dma_wait3A_281] : memref<8x64x256x256xf32, #tpu.memory_space<any>> -> memref<1x12x256x256xf32, #tpu.memory_space<any>>
    %dma_wait3A_283 = tpu.memref_squeeze %dma_wait3A_282 : memref<1x12x256x256xf32, #tpu.memory_space<any>> -> memref<12x256x256xf32, #tpu.memory_space<any>>
    tpu.wait_dma2 semaphore(%arg8 : memref<!tpu.dma_semaphore, #tpu.memory_space<semaphore_mem>>) src(%arg1 : memref<12x256x256xf32, #tpu.memory_space<vmem>>) dst(%dma_wait3A_283 : memref<12x256x256xf32, #tpu.memory_space<any>>)
    %dma_wait3A_284 = arith.constant 1 : i32
    %dma_wait3A_285 = arith.constant 28 : i32
    %dma_wait3A_286 = arith.constant 0 : i32
    %dma_wait3A_287 = arith.constant 0 : i32
    %dma_wait3A_288 = tpu.memref_slice %arg0[%dma_wait3A_284, %dma_wait3A_285, %dma_wait3A_286, %dma_wait3A_287] : memref<8x64x256x256xf32, #tpu.memory_space<any>> -> memref<1x12x256x256xf32, #tpu.memory_space<any>>
    %dma_wait3A_289 = tpu.memref_squeeze %dma_wait3A_288 : memref<1x12x256x256xf32, #tpu.memory_space<any>> -> memref<12x256x256xf32, #tpu.memory_space<any>>
    tpu.wait_dma2 semaphore(%arg9 : memref<!tpu.dma_semaphore, #tpu.memory_space<semaphore_mem>>) src(%arg1 : memref<12x256x256xf32, #tpu.memory_space<vmem>>) dst(%dma_wait3A_289 : memref<12x256x256xf32, #tpu.memory_space<any>>)
    %dma_wait3A_290 = arith.constant 1 : i32
    %dma_wait3A_291 = arith.constant 40 : i32
    %dma_wait3A_292 = arith.constant 0 : i32
    %dma_wait3A_293 = arith.constant 0 : i32
    %dma_wait3A_294 = tpu.memref_slice %arg0[%dma_wait3A_290, %dma_wait3A_291, %dma_wait3A_292, %dma_wait3A_293] : memref<8x64x256x256xf32, #tpu.memory_space<any>> -> memref<1x12x256x256xf32, #tpu.memory_space<any>>
    %dma_wait3A_295 = tpu.memref_squeeze %dma_wait3A_294 : memref<1x12x256x256xf32, #tpu.memory_space<any>> -> memref<12x256x256xf32, #tpu.memory_space<any>>
    tpu.wait_dma2 semaphore(%arg2 : memref<!tpu.dma_semaphore, #tpu.memory_space<semaphore_mem>>) src(%arg1 : memref<12x256x256xf32, #tpu.memory_space<vmem>>) dst(%dma_wait3A_295 : memref<12x256x256xf32, #tpu.memory_space<any>>)
    %dma_wait3A_296 = arith.constant 1 : i32
    %dma_wait3A_297 = arith.constant 52 : i32
    %dma_wait3A_298 = arith.constant 0 : i32
    %dma_wait3A_299 = arith.constant 0 : i32
    %dma_wait3A_300 = tpu.memref_slice %arg0[%dma_wait3A_296, %dma_wait3A_297, %dma_wait3A_298, %dma_wait3A_299] : memref<8x64x256x256xf32, #tpu.memory_space<any>> -> memref<1x12x256x256xf32, #tpu.memory_space<any>>
    %dma_wait3A_301 = tpu.memref_squeeze %dma_wait3A_300 : memref<1x12x256x256xf32, #tpu.memory_space<any>> -> memref<12x256x256xf32, #tpu.memory_space<any>>
    tpu.wait_dma2 semaphore(%arg3 : memref<!tpu.dma_semaphore, #tpu.memory_space<semaphore_mem>>) src(%arg1 : memref<12x256x256xf32, #tpu.memory_space<vmem>>) dst(%dma_wait3A_301 : memref<12x256x256xf32, #tpu.memory_space<any>>)
    %dma_wait3A_302 = arith.constant 2 : i32
    %dma_wait3A_303 = arith.constant 4 : i32
    %dma_wait3A_304 = arith.constant 0 : i32
    %dma_wait3A_305 = arith.constant 0 : i32
    %dma_wait3A_306 = tpu.memref_slice %arg0[%dma_wait3A_302, %dma_wait3A_303, %dma_wait3A_304, %dma_wait3A_305] : memref<8x64x256x256xf32, #tpu.memory_space<any>> -> memref<1x12x256x256xf32, #tpu.memory_space<any>>
    %dma_wait3A_307 = tpu.memref_squeeze %dma_wait3A_306 : memref<1x12x256x256xf32, #tpu.memory_space<any>> -> memref<12x256x256xf32, #tpu.memory_space<any>>
    tpu.wait_dma2 semaphore(%arg4 : memref<!tpu.dma_semaphore, #tpu.memory_space<semaphore_mem>>) src(%arg1 : memref<12x256x256xf32, #tpu.memory_space<vmem>>) dst(%dma_wait3A_307 : memref<12x256x256xf32, #tpu.memory_space<any>>)
    %dma_wait3A_308 = arith.constant 2 : i32
    %dma_wait3A_309 = arith.constant 16 : i32
    %dma_wait3A_310 = arith.constant 0 : i32
    %dma_wait3A_311 = arith.constant 0 : i32
    %dma_wait3A_312 = tpu.memref_slice %arg0[%dma_wait3A_308, %dma_wait3A_309, %dma_wait3A_310, %dma_wait3A_311] : memref<8x64x256x256xf32, #tpu.memory_space<any>> -> memref<1x12x256x256xf32, #tpu.memory_space<any>>
    %dma_wait3A_313 = tpu.memref_squeeze %dma_wait3A_312 : memref<1x12x256x256xf32, #tpu.memory_space<any>> -> memref<12x256x256xf32, #tpu.memory_space<any>>
    tpu.wait_dma2 semaphore(%arg5 : memref<!tpu.dma_semaphore, #tpu.memory_space<semaphore_mem>>) src(%arg1 : memref<12x256x256xf32, #tpu.memory_space<vmem>>) dst(%dma_wait3A_313 : memref<12x256x256xf32, #tpu.memory_space<any>>)
    %dma_wait3A_314 = arith.constant 2 : i32
    %dma_wait3A_315 = arith.constant 28 : i32
    %dma_wait3A_316 = arith.constant 0 : i32
    %dma_wait3A_317 = arith.constant 0 : i32
    %dma_wait3A_318 = tpu.memref_slice %arg0[%dma_wait3A_314, %dma_wait3A_315, %dma_wait3A_316, %dma_wait3A_317] : memref<8x64x256x256xf32, #tpu.memory_space<any>> -> memref<1x12x256x256xf32, #tpu.memory_space<any>>
    %dma_wait3A_319 = tpu.memref_squeeze %dma_wait3A_318 : memref<1x12x256x256xf32, #tpu.memory_space<any>> -> memref<12x256x256xf32, #tpu.memory_space<any>>
    tpu.wait_dma2 semaphore(%arg6 : memref<!tpu.dma_semaphore, #tpu.memory_space<semaphore_mem>>) src(%arg1 : memref<12x256x256xf32, #tpu.memory_space<vmem>>) dst(%dma_wait3A_319 : memref<12x256x256xf32, #tpu.memory_space<any>>)
    %dma_wait3A_320 = arith.constant 2 : i32
    %dma_wait3A_321 = arith.constant 40 : i32
    %dma_wait3A_322 = arith.constant 0 : i32
    %dma_wait3A_323 = arith.constant 0 : i32
    %dma_wait3A_324 = tpu.memref_slice %arg0[%dma_wait3A_320, %dma_wait3A_321, %dma_wait3A_322, %dma_wait3A_323] : memref<8x64x256x256xf32, #tpu.memory_space<any>> -> memref<1x12x256x256xf32, #tpu.memory_space<any>>
    %dma_wait3A_325 = tpu.memref_squeeze %dma_wait3A_324 : memref<1x12x256x256xf32, #tpu.memory_space<any>> -> memref<12x256x256xf32, #tpu.memory_space<any>>
    tpu.wait_dma2 semaphore(%arg7 : memref<!tpu.dma_semaphore, #tpu.memory_space<semaphore_mem>>) src(%arg1 : memref<12x256x256xf32, #tpu.memory_space<vmem>>) dst(%dma_wait3A_325 : memref<12x256x256xf32, #tpu.memory_space<any>>)
    %dma_wait3A_326 = arith.constant 2 : i32
    %dma_wait3A_327 = arith.constant 52 : i32
    %dma_wait3A_328 = arith.constant 0 : i32
    %dma_wait3A_329 = arith.constant 0 : i32
    %dma_wait3A_330 = tpu.memref_slice %arg0[%dma_wait3A_326, %dma_wait3A_327, %dma_wait3A_328, %dma_wait3A_329] : memref<8x64x256x256xf32, #tpu.memory_space<any>> -> memref<1x12x256x256xf32, #tpu.memory_space<any>>
    %dma_wait3A_331 = tpu.memref_squeeze %dma_wait3A_330 : memref<1x12x256x256xf32, #tpu.memory_space<any>> -> memref<12x256x256xf32, #tpu.memory_space<any>>
    tpu.wait_dma2 semaphore(%arg8 : memref<!tpu.dma_semaphore, #tpu.memory_space<semaphore_mem>>) src(%arg1 : memref<12x256x256xf32, #tpu.memory_space<vmem>>) dst(%dma_wait3A_331 : memref<12x256x256xf32, #tpu.memory_space<any>>)
    %dma_wait3A_332 = arith.constant 3 : i32
    %dma_wait3A_333 = arith.constant 4 : i32
    %dma_wait3A_334 = arith.constant 0 : i32
    %dma_wait3A_335 = arith.constant 0 : i32
    %dma_wait3A_336 = tpu.memref_slice %arg0[%dma_wait3A_332, %dma_wait3A_333, %dma_wait3A_334, %dma_wait3A_335] : memref<8x64x256x256xf32, #tpu.memory_space<any>> -> memref<1x12x256x256xf32, #tpu.memory_space<any>>
    %dma_wait3A_337 = tpu.memref_squeeze %dma_wait3A_336 : memref<1x12x256x256xf32, #tpu.memory_space<any>> -> memref<12x256x256xf32, #tpu.memory_space<any>>
    tpu.wait_dma2 semaphore(%arg9 : memref<!tpu.dma_semaphore, #tpu.memory_space<semaphore_mem>>) src(%arg1 : memref<12x256x256xf32, #tpu.memory_space<vmem>>) dst(%dma_wait3A_337 : memref<12x256x256xf32, #tpu.memory_space<any>>)
    %dma_wait3A_338 = arith.constant 3 : i32
    %dma_wait3A_339 = arith.constant 16 : i32
    %dma_wait3A_340 = arith.constant 0 : i32
    %dma_wait3A_341 = arith.constant 0 : i32
    %dma_wait3A_342 = tpu.memref_slice %arg0[%dma_wait3A_338, %dma_wait3A_339, %dma_wait3A_340, %dma_wait3A_341] : memref<8x64x256x256xf32, #tpu.memory_space<any>> -> memref<1x12x256x256xf32, #tpu.memory_space<any>>
    %dma_wait3A_343 = tpu.memref_squeeze %dma_wait3A_342 : memref<1x12x256x256xf32, #tpu.memory_space<any>> -> memref<12x256x256xf32, #tpu.memory_space<any>>
    tpu.wait_dma2 semaphore(%arg2 : memref<!tpu.dma_semaphore, #tpu.memory_space<semaphore_mem>>) src(%arg1 : memref<12x256x256xf32, #tpu.memory_space<vmem>>) dst(%dma_wait3A_343 : memref<12x256x256xf32, #tpu.memory_space<any>>)
    %dma_wait3A_344 = arith.constant 3 : i32
    %dma_wait3A_345 = arith.constant 28 : i32
    %dma_wait3A_346 = arith.constant 0 : i32
    %dma_wait3A_347 = arith.constant 0 : i32
    %dma_wait3A_348 = tpu.memref_slice %arg0[%dma_wait3A_344, %dma_wait3A_345, %dma_wait3A_346, %dma_wait3A_347] : memref<8x64x256x256xf32, #tpu.memory_space<any>> -> memref<1x12x256x256xf32, #tpu.memory_space<any>>
    %dma_wait3A_349 = tpu.memref_squeeze %dma_wait3A_348 : memref<1x12x256x256xf32, #tpu.memory_space<any>> -> memref<12x256x256xf32, #tpu.memory_space<any>>
    tpu.wait_dma2 semaphore(%arg3 : memref<!tpu.dma_semaphore, #tpu.memory_space<semaphore_mem>>) src(%arg1 : memref<12x256x256xf32, #tpu.memory_space<vmem>>) dst(%dma_wait3A_349 : memref<12x256x256xf32, #tpu.memory_space<any>>)
    %dma_wait3A_350 = arith.constant 3 : i32
    %dma_wait3A_351 = arith.constant 40 : i32
    %dma_wait3A_352 = arith.constant 0 : i32
    %dma_wait3A_353 = arith.constant 0 : i32
    %dma_wait3A_354 = tpu.memref_slice %arg0[%dma_wait3A_350, %dma_wait3A_351, %dma_wait3A_352, %dma_wait3A_353] : memref<8x64x256x256xf32, #tpu.memory_space<any>> -> memref<1x12x256x256xf32, #tpu.memory_space<any>>
    %dma_wait3A_355 = tpu.memref_squeeze %dma_wait3A_354 : memref<1x12x256x256xf32, #tpu.memory_space<any>> -> memref<12x256x256xf32, #tpu.memory_space<any>>
    tpu.wait_dma2 semaphore(%arg4 : memref<!tpu.dma_semaphore, #tpu.memory_space<semaphore_mem>>) src(%arg1 : memref<12x256x256xf32, #tpu.memory_space<vmem>>) dst(%dma_wait3A_355 : memref<12x256x256xf32, #tpu.memory_space<any>>)
    %dma_wait3A_356 = arith.constant 3 : i32
    %dma_wait3A_357 = arith.constant 52 : i32
    %dma_wait3A_358 = arith.constant 0 : i32
    %dma_wait3A_359 = arith.constant 0 : i32
    %dma_wait3A_360 = tpu.memref_slice %arg0[%dma_wait3A_356, %dma_wait3A_357, %dma_wait3A_358, %dma_wait3A_359] : memref<8x64x256x256xf32, #tpu.memory_space<any>> -> memref<1x12x256x256xf32, #tpu.memory_space<any>>
    %dma_wait3A_361 = tpu.memref_squeeze %dma_wait3A_360 : memref<1x12x256x256xf32, #tpu.memory_space<any>> -> memref<12x256x256xf32, #tpu.memory_space<any>>
    tpu.wait_dma2 semaphore(%arg5 : memref<!tpu.dma_semaphore, #tpu.memory_space<semaphore_mem>>) src(%arg1 : memref<12x256x256xf32, #tpu.memory_space<vmem>>) dst(%dma_wait3A_361 : memref<12x256x256xf32, #tpu.memory_space<any>>)
    %dma_wait3A_362 = arith.constant 4 : i32
    %dma_wait3A_363 = arith.constant 4 : i32
    %dma_wait3A_364 = arith.constant 0 : i32
    %dma_wait3A_365 = arith.constant 0 : i32
    %dma_wait3A_366 = tpu.memref_slice %arg0[%dma_wait3A_362, %dma_wait3A_363, %dma_wait3A_364, %dma_wait3A_365] : memref<8x64x256x256xf32, #tpu.memory_space<any>> -> memref<1x12x256x256xf32, #tpu.memory_space<any>>
    %dma_wait3A_367 = tpu.memref_squeeze %dma_wait3A_366 : memref<1x12x256x256xf32, #tpu.memory_space<any>> -> memref<12x256x256xf32, #tpu.memory_space<any>>
    tpu.wait_dma2 semaphore(%arg6 : memref<!tpu.dma_semaphore, #tpu.memory_space<semaphore_mem>>) src(%arg1 : memref<12x256x256xf32, #tpu.memory_space<vmem>>) dst(%dma_wait3A_367 : memref<12x256x256xf32, #tpu.memory_space<any>>)
    %dma_wait3A_368 = arith.constant 4 : i32
    %dma_wait3A_369 = arith.constant 16 : i32
    %dma_wait3A_370 = arith.constant 0 : i32
    %dma_wait3A_371 = arith.constant 0 : i32
    %dma_wait3A_372 = tpu.memref_slice %arg0[%dma_wait3A_368, %dma_wait3A_369, %dma_wait3A_370, %dma_wait3A_371] : memref<8x64x256x256xf32, #tpu.memory_space<any>> -> memref<1x12x256x256xf32, #tpu.memory_space<any>>
    %dma_wait3A_373 = tpu.memref_squeeze %dma_wait3A_372 : memref<1x12x256x256xf32, #tpu.memory_space<any>> -> memref<12x256x256xf32, #tpu.memory_space<any>>
    tpu.wait_dma2 semaphore(%arg7 : memref<!tpu.dma_semaphore, #tpu.memory_space<semaphore_mem>>) src(%arg1 : memref<12x256x256xf32, #tpu.memory_space<vmem>>) dst(%dma_wait3A_373 : memref<12x256x256xf32, #tpu.memory_space<any>>)
    %dma_wait3A_374 = arith.constant 4 : i32
    %dma_wait3A_375 = arith.constant 28 : i32
    %dma_wait3A_376 = arith.constant 0 : i32
    %dma_wait3A_377 = arith.constant 0 : i32
    %dma_wait3A_378 = tpu.memref_slice %arg0[%dma_wait3A_374, %dma_wait3A_375, %dma_wait3A_376, %dma_wait3A_377] : memref<8x64x256x256xf32, #tpu.memory_space<any>> -> memref<1x12x256x256xf32, #tpu.memory_space<any>>
    %dma_wait3A_379 = tpu.memref_squeeze %dma_wait3A_378 : memref<1x12x256x256xf32, #tpu.memory_space<any>> -> memref<12x256x256xf32, #tpu.memory_space<any>>
    tpu.wait_dma2 semaphore(%arg8 : memref<!tpu.dma_semaphore, #tpu.memory_space<semaphore_mem>>) src(%arg1 : memref<12x256x256xf32, #tpu.memory_space<vmem>>) dst(%dma_wait3A_379 : memref<12x256x256xf32, #tpu.memory_space<any>>)
    %dma_wait3A_380 = arith.constant 4 : i32
    %dma_wait3A_381 = arith.constant 40 : i32
    %dma_wait3A_382 = arith.constant 0 : i32
    %dma_wait3A_383 = arith.constant 0 : i32
    %dma_wait3A_384 = tpu.memref_slice %arg0[%dma_wait3A_380, %dma_wait3A_381, %dma_wait3A_382, %dma_wait3A_383] : memref<8x64x256x256xf32, #tpu.memory_space<any>> -> memref<1x12x256x256xf32, #tpu.memory_space<any>>
    %dma_wait3A_385 = tpu.memref_squeeze %dma_wait3A_384 : memref<1x12x256x256xf32, #tpu.memory_space<any>> -> memref<12x256x256xf32, #tpu.memory_space<any>>
    tpu.wait_dma2 semaphore(%arg9 : memref<!tpu.dma_semaphore, #tpu.memory_space<semaphore_mem>>) src(%arg1 : memref<12x256x256xf32, #tpu.memory_space<vmem>>) dst(%dma_wait3A_385 : memref<12x256x256xf32, #tpu.memory_space<any>>)
    %dma_wait3A_386 = arith.constant 4 : i32
    %dma_wait3A_387 = arith.constant 52 : i32
    %dma_wait3A_388 = arith.constant 0 : i32
    %dma_wait3A_389 = arith.constant 0 : i32
    %dma_wait3A_390 = tpu.memref_slice %arg0[%dma_wait3A_386, %dma_wait3A_387, %dma_wait3A_388, %dma_wait3A_389] : memref<8x64x256x256xf32, #tpu.memory_space<any>> -> memref<1x12x256x256xf32, #tpu.memory_space<any>>
    %dma_wait3A_391 = tpu.memref_squeeze %dma_wait3A_390 : memref<1x12x256x256xf32, #tpu.memory_space<any>> -> memref<12x256x256xf32, #tpu.memory_space<any>>
    tpu.wait_dma2 semaphore(%arg2 : memref<!tpu.dma_semaphore, #tpu.memory_space<semaphore_mem>>) src(%arg1 : memref<12x256x256xf32, #tpu.memory_space<vmem>>) dst(%dma_wait3A_391 : memref<12x256x256xf32, #tpu.memory_space<any>>)
    %dma_wait3A_392 = arith.constant 5 : i32
    %dma_wait3A_393 = arith.constant 4 : i32
    %dma_wait3A_394 = arith.constant 0 : i32
    %dma_wait3A_395 = arith.constant 0 : i32
    %dma_wait3A_396 = tpu.memref_slice %arg0[%dma_wait3A_392, %dma_wait3A_393, %dma_wait3A_394, %dma_wait3A_395] : memref<8x64x256x256xf32, #tpu.memory_space<any>> -> memref<1x12x256x256xf32, #tpu.memory_space<any>>
    %dma_wait3A_397 = tpu.memref_squeeze %dma_wait3A_396 : memref<1x12x256x256xf32, #tpu.memory_space<any>> -> memref<12x256x256xf32, #tpu.memory_space<any>>
    tpu.wait_dma2 semaphore(%arg3 : memref<!tpu.dma_semaphore, #tpu.memory_space<semaphore_mem>>) src(%arg1 : memref<12x256x256xf32, #tpu.memory_space<vmem>>) dst(%dma_wait3A_397 : memref<12x256x256xf32, #tpu.memory_space<any>>)
    %dma_wait3A_398 = arith.constant 5 : i32
    %dma_wait3A_399 = arith.constant 16 : i32
    %dma_wait3A_400 = arith.constant 0 : i32
    %dma_wait3A_401 = arith.constant 0 : i32
    %dma_wait3A_402 = tpu.memref_slice %arg0[%dma_wait3A_398, %dma_wait3A_399, %dma_wait3A_400, %dma_wait3A_401] : memref<8x64x256x256xf32, #tpu.memory_space<any>> -> memref<1x12x256x256xf32, #tpu.memory_space<any>>
    %dma_wait3A_403 = tpu.memref_squeeze %dma_wait3A_402 : memref<1x12x256x256xf32, #tpu.memory_space<any>> -> memref<12x256x256xf32, #tpu.memory_space<any>>
    tpu.wait_dma2 semaphore(%arg4 : memref<!tpu.dma_semaphore, #tpu.memory_space<semaphore_mem>>) src(%arg1 : memref<12x256x256xf32, #tpu.memory_space<vmem>>) dst(%dma_wait3A_403 : memref<12x256x256xf32, #tpu.memory_space<any>>)
    %dma_wait3A_404 = arith.constant 5 : i32
    %dma_wait3A_405 = arith.constant 28 : i32
    %dma_wait3A_406 = arith.constant 0 : i32
    %dma_wait3A_407 = arith.constant 0 : i32
    %dma_wait3A_408 = tpu.memref_slice %arg0[%dma_wait3A_404, %dma_wait3A_405, %dma_wait3A_406, %dma_wait3A_407] : memref<8x64x256x256xf32, #tpu.memory_space<any>> -> memref<1x12x256x256xf32, #tpu.memory_space<any>>
    %dma_wait3A_409 = tpu.memref_squeeze %dma_wait3A_408 : memref<1x12x256x256xf32, #tpu.memory_space<any>> -> memref<12x256x256xf32, #tpu.memory_space<any>>
    tpu.wait_dma2 semaphore(%arg5 : memref<!tpu.dma_semaphore, #tpu.memory_space<semaphore_mem>>) src(%arg1 : memref<12x256x256xf32, #tpu.memory_space<vmem>>) dst(%dma_wait3A_409 : memref<12x256x256xf32, #tpu.memory_space<any>>)
    %dma_wait3A_410 = arith.constant 5 : i32
    %dma_wait3A_411 = arith.constant 40 : i32
    %dma_wait3A_412 = arith.constant 0 : i32
    %dma_wait3A_413 = arith.constant 0 : i32
    %dma_wait3A_414 = tpu.memref_slice %arg0[%dma_wait3A_410, %dma_wait3A_411, %dma_wait3A_412, %dma_wait3A_413] : memref<8x64x256x256xf32, #tpu.memory_space<any>> -> memref<1x12x256x256xf32, #tpu.memory_space<any>>
    %dma_wait3A_415 = tpu.memref_squeeze %dma_wait3A_414 : memref<1x12x256x256xf32, #tpu.memory_space<any>> -> memref<12x256x256xf32, #tpu.memory_space<any>>
    tpu.wait_dma2 semaphore(%arg6 : memref<!tpu.dma_semaphore, #tpu.memory_space<semaphore_mem>>) src(%arg1 : memref<12x256x256xf32, #tpu.memory_space<vmem>>) dst(%dma_wait3A_415 : memref<12x256x256xf32, #tpu.memory_space<any>>)
    %dma_wait3A_416 = arith.constant 5 : i32
    %dma_wait3A_417 = arith.constant 52 : i32
    %dma_wait3A_418 = arith.constant 0 : i32
    %dma_wait3A_419 = arith.constant 0 : i32
    %dma_wait3A_420 = tpu.memref_slice %arg0[%dma_wait3A_416, %dma_wait3A_417, %dma_wait3A_418, %dma_wait3A_419] : memref<8x64x256x256xf32, #tpu.memory_space<any>> -> memref<1x12x256x256xf32, #tpu.memory_space<any>>
    %dma_wait3A_421 = tpu.memref_squeeze %dma_wait3A_420 : memref<1x12x256x256xf32, #tpu.memory_space<any>> -> memref<12x256x256xf32, #tpu.memory_space<any>>
    tpu.wait_dma2 semaphore(%arg7 : memref<!tpu.dma_semaphore, #tpu.memory_space<semaphore_mem>>) src(%arg1 : memref<12x256x256xf32, #tpu.memory_space<vmem>>) dst(%dma_wait3A_421 : memref<12x256x256xf32, #tpu.memory_space<any>>)
    %dma_wait3A_422 = arith.constant 6 : i32
    %dma_wait3A_423 = arith.constant 4 : i32
    %dma_wait3A_424 = arith.constant 0 : i32
    %dma_wait3A_425 = arith.constant 0 : i32
    %dma_wait3A_426 = tpu.memref_slice %arg0[%dma_wait3A_422, %dma_wait3A_423, %dma_wait3A_424, %dma_wait3A_425] : memref<8x64x256x256xf32, #tpu.memory_space<any>> -> memref<1x12x256x256xf32, #tpu.memory_space<any>>
    %dma_wait3A_427 = tpu.memref_squeeze %dma_wait3A_426 : memref<1x12x256x256xf32, #tpu.memory_space<any>> -> memref<12x256x256xf32, #tpu.memory_space<any>>
    tpu.wait_dma2 semaphore(%arg8 : memref<!tpu.dma_semaphore, #tpu.memory_space<semaphore_mem>>) src(%arg1 : memref<12x256x256xf32, #tpu.memory_space<vmem>>) dst(%dma_wait3A_427 : memref<12x256x256xf32, #tpu.memory_space<any>>)
    %dma_wait3A_428 = arith.constant 6 : i32
    %dma_wait3A_429 = arith.constant 16 : i32
    %dma_wait3A_430 = arith.constant 0 : i32
    %dma_wait3A_431 = arith.constant 0 : i32
    %dma_wait3A_432 = tpu.memref_slice %arg0[%dma_wait3A_428, %dma_wait3A_429, %dma_wait3A_430, %dma_wait3A_431] : memref<8x64x256x256xf32, #tpu.memory_space<any>> -> memref<1x12x256x256xf32, #tpu.memory_space<any>>
    %dma_wait3A_433 = tpu.memref_squeeze %dma_wait3A_432 : memref<1x12x256x256xf32, #tpu.memory_space<any>> -> memref<12x256x256xf32, #tpu.memory_space<any>>
    tpu.wait_dma2 semaphore(%arg9 : memref<!tpu.dma_semaphore, #tpu.memory_space<semaphore_mem>>) src(%arg1 : memref<12x256x256xf32, #tpu.memory_space<vmem>>) dst(%dma_wait3A_433 : memref<12x256x256xf32, #tpu.memory_space<any>>)
    %dma_wait3A_434 = arith.constant 6 : i32
    %dma_wait3A_435 = arith.constant 28 : i32
    %dma_wait3A_436 = arith.constant 0 : i32
    %dma_wait3A_437 = arith.constant 0 : i32
    %dma_wait3A_438 = tpu.memref_slice %arg0[%dma_wait3A_434, %dma_wait3A_435, %dma_wait3A_436, %dma_wait3A_437] : memref<8x64x256x256xf32, #tpu.memory_space<any>> -> memref<1x12x256x256xf32, #tpu.memory_space<any>>
    %dma_wait3A_439 = tpu.memref_squeeze %dma_wait3A_438 : memref<1x12x256x256xf32, #tpu.memory_space<any>> -> memref<12x256x256xf32, #tpu.memory_space<any>>
    tpu.wait_dma2 semaphore(%arg2 : memref<!tpu.dma_semaphore, #tpu.memory_space<semaphore_mem>>) src(%arg1 : memref<12x256x256xf32, #tpu.memory_space<vmem>>) dst(%dma_wait3A_439 : memref<12x256x256xf32, #tpu.memory_space<any>>)
    %dma_wait3A_440 = arith.constant 6 : i32
    %dma_wait3A_441 = arith.constant 40 : i32
    %dma_wait3A_442 = arith.constant 0 : i32
    %dma_wait3A_443 = arith.constant 0 : i32
    %dma_wait3A_444 = tpu.memref_slice %arg0[%dma_wait3A_440, %dma_wait3A_441, %dma_wait3A_442, %dma_wait3A_443] : memref<8x64x256x256xf32, #tpu.memory_space<any>> -> memref<1x12x256x256xf32, #tpu.memory_space<any>>
    %dma_wait3A_445 = tpu.memref_squeeze %dma_wait3A_444 : memref<1x12x256x256xf32, #tpu.memory_space<any>> -> memref<12x256x256xf32, #tpu.memory_space<any>>
    tpu.wait_dma2 semaphore(%arg3 : memref<!tpu.dma_semaphore, #tpu.memory_space<semaphore_mem>>) src(%arg1 : memref<12x256x256xf32, #tpu.memory_space<vmem>>) dst(%dma_wait3A_445 : memref<12x256x256xf32, #tpu.memory_space<any>>)
    %dma_wait3A_446 = arith.constant 6 : i32
    %dma_wait3A_447 = arith.constant 52 : i32
    %dma_wait3A_448 = arith.constant 0 : i32
    %dma_wait3A_449 = arith.constant 0 : i32
    %dma_wait3A_450 = tpu.memref_slice %arg0[%dma_wait3A_446, %dma_wait3A_447, %dma_wait3A_448, %dma_wait3A_449] : memref<8x64x256x256xf32, #tpu.memory_space<any>> -> memref<1x12x256x256xf32, #tpu.memory_space<any>>
    %dma_wait3A_451 = tpu.memref_squeeze %dma_wait3A_450 : memref<1x12x256x256xf32, #tpu.memory_space<any>> -> memref<12x256x256xf32, #tpu.memory_space<any>>
    tpu.wait_dma2 semaphore(%arg4 : memref<!tpu.dma_semaphore, #tpu.memory_space<semaphore_mem>>) src(%arg1 : memref<12x256x256xf32, #tpu.memory_space<vmem>>) dst(%dma_wait3A_451 : memref<12x256x256xf32, #tpu.memory_space<any>>)
    %dma_wait3A_452 = arith.constant 7 : i32
    %dma_wait3A_453 = arith.constant 4 : i32
    %dma_wait3A_454 = arith.constant 0 : i32
    %dma_wait3A_455 = arith.constant 0 : i32
    %dma_wait3A_456 = tpu.memref_slice %arg0[%dma_wait3A_452, %dma_wait3A_453, %dma_wait3A_454, %dma_wait3A_455] : memref<8x64x256x256xf32, #tpu.memory_space<any>> -> memref<1x12x256x256xf32, #tpu.memory_space<any>>
    %dma_wait3A_457 = tpu.memref_squeeze %dma_wait3A_456 : memref<1x12x256x256xf32, #tpu.memory_space<any>> -> memref<12x256x256xf32, #tpu.memory_space<any>>
    tpu.wait_dma2 semaphore(%arg5 : memref<!tpu.dma_semaphore, #tpu.memory_space<semaphore_mem>>) src(%arg1 : memref<12x256x256xf32, #tpu.memory_space<vmem>>) dst(%dma_wait3A_457 : memref<12x256x256xf32, #tpu.memory_space<any>>)
    %dma_wait3A_458 = arith.constant 7 : i32
    %dma_wait3A_459 = arith.constant 16 : i32
    %dma_wait3A_460 = arith.constant 0 : i32
    %dma_wait3A_461 = arith.constant 0 : i32
    %dma_wait3A_462 = tpu.memref_slice %arg0[%dma_wait3A_458, %dma_wait3A_459, %dma_wait3A_460, %dma_wait3A_461] : memref<8x64x256x256xf32, #tpu.memory_space<any>> -> memref<1x12x256x256xf32, #tpu.memory_space<any>>
    %dma_wait3A_463 = tpu.memref_squeeze %dma_wait3A_462 : memref<1x12x256x256xf32, #tpu.memory_space<any>> -> memref<12x256x256xf32, #tpu.memory_space<any>>
    tpu.wait_dma2 semaphore(%arg6 : memref<!tpu.dma_semaphore, #tpu.memory_space<semaphore_mem>>) src(%arg1 : memref<12x256x256xf32, #tpu.memory_space<vmem>>) dst(%dma_wait3A_463 : memref<12x256x256xf32, #tpu.memory_space<any>>)
    %dma_wait3A_464 = arith.constant 7 : i32
    %dma_wait3A_465 = arith.constant 28 : i32
    %dma_wait3A_466 = arith.constant 0 : i32
    %dma_wait3A_467 = arith.constant 0 : i32
    %dma_wait3A_468 = tpu.memref_slice %arg0[%dma_wait3A_464, %dma_wait3A_465, %dma_wait3A_466, %dma_wait3A_467] : memref<8x64x256x256xf32, #tpu.memory_space<any>> -> memref<1x12x256x256xf32, #tpu.memory_space<any>>
    %dma_wait3A_469 = tpu.memref_squeeze %dma_wait3A_468 : memref<1x12x256x256xf32, #tpu.memory_space<any>> -> memref<12x256x256xf32, #tpu.memory_space<any>>
    tpu.wait_dma2 semaphore(%arg7 : memref<!tpu.dma_semaphore, #tpu.memory_space<semaphore_mem>>) src(%arg1 : memref<12x256x256xf32, #tpu.memory_space<vmem>>) dst(%dma_wait3A_469 : memref<12x256x256xf32, #tpu.memory_space<any>>)
    %dma_wait3A_470 = arith.constant 7 : i32
    %dma_wait3A_471 = arith.constant 40 : i32
    %dma_wait3A_472 = arith.constant 0 : i32
    %dma_wait3A_473 = arith.constant 0 : i32
    %dma_wait3A_474 = tpu.memref_slice %arg0[%dma_wait3A_470, %dma_wait3A_471, %dma_wait3A_472, %dma_wait3A_473] : memref<8x64x256x256xf32, #tpu.memory_space<any>> -> memref<1x12x256x256xf32, #tpu.memory_space<any>>
    %dma_wait3A_475 = tpu.memref_squeeze %dma_wait3A_474 : memref<1x12x256x256xf32, #tpu.memory_space<any>> -> memref<12x256x256xf32, #tpu.memory_space<any>>
    tpu.wait_dma2 semaphore(%arg8 : memref<!tpu.dma_semaphore, #tpu.memory_space<semaphore_mem>>) src(%arg1 : memref<12x256x256xf32, #tpu.memory_space<vmem>>) dst(%dma_wait3A_475 : memref<12x256x256xf32, #tpu.memory_space<any>>)
    %dma_wait3A_476 = arith.constant 7 : i32
    %dma_wait3A_477 = arith.constant 52 : i32
    %dma_wait3A_478 = arith.constant 0 : i32
    %dma_wait3A_479 = arith.constant 0 : i32
    %dma_wait3A_480 = tpu.memref_slice %arg0[%dma_wait3A_476, %dma_wait3A_477, %dma_wait3A_478, %dma_wait3A_479] : memref<8x64x256x256xf32, #tpu.memory_space<any>> -> memref<1x12x256x256xf32, #tpu.memory_space<any>>
    %dma_wait3A_481 = tpu.memref_squeeze %dma_wait3A_480 : memref<1x12x256x256xf32, #tpu.memory_space<any>> -> memref<12x256x256xf32, #tpu.memory_space<any>>
    tpu.wait_dma2 semaphore(%arg9 : memref<!tpu.dma_semaphore, #tpu.memory_space<semaphore_mem>>) src(%arg1 : memref<12x256x256xf32, #tpu.memory_space<vmem>>) dst(%dma_wait3A_481 : memref<12x256x256xf32, #tpu.memory_space<any>>)
    return
  }
}

module attributes {stable_mosaic.version = 14 : i64} {
  func.func @body(%arg0: i32, %arg1: memref<1x3x256x256xf32, #tpu.memory_space<vmem>>, %arg2: memref<8x64x256x256xf32, #tpu.memory_space<any>>, %arg3: memref<1x4x256x256xf32, #tpu.memory_space<vmem>>) attributes {dimension_semantics = [#tpu.dimension_semantics<arbitrary>], iteration_bounds = array<i64: 8>, scalar_prefetch = 0 : i64, scratch_operands = 0 : i64, tpu.core_type = #tpu.core_type<tc>, window_params = [{transform_indices = @transform_0, window_bounds = array<i64: 1, 3, 256, 256>}, {}, {transform_indices = @transform_2, window_bounds = array<i64: 1, 4, 256, 256>}]} {
    %get3A = arith.constant 0 : index
    %get3A_0 = arith.constant 0 : index
    %get3A_1 = arith.constant 0 : index
    %get3A_2 = arith.constant 0 : index
    %get3A_3 = vector.load %arg1[%get3A, %get3A_0, %get3A_1, %get3A_2] : memref<1x3x256x256xf32, #tpu.memory_space<vmem>>, vector<1x1x256x256xf32>
    %get3A_4 = vector.shape_cast %get3A_3 : vector<1x1x256x256xf32> to vector<256x256xf32>
    %get3A_5 = arith.constant 0 : index
    %get3A_6 = arith.constant 1 : index
    %get3A_7 = arith.constant 0 : index
    %get3A_8 = arith.constant 0 : index
    %get3A_9 = vector.load %arg1[%get3A_5, %get3A_6, %get3A_7, %get3A_8] : memref<1x3x256x256xf32, #tpu.memory_space<vmem>>, vector<1x1x256x256xf32>
    %get3A_10 = vector.shape_cast %get3A_9 : vector<1x1x256x256xf32> to vector<256x256xf32>
    %get3A_11 = arith.constant 0 : index
    %get3A_12 = arith.constant 2 : index
    %get3A_13 = arith.constant 0 : index
    %get3A_14 = arith.constant 0 : index
    %get3A_15 = vector.load %arg1[%get3A_11, %get3A_12, %get3A_13, %get3A_14] : memref<1x3x256x256xf32, #tpu.memory_space<vmem>>, vector<1x1x256x256xf32>
    %get3A_16 = vector.shape_cast %get3A_15 : vector<1x1x256x256xf32> to vector<256x256xf32>
    %log1p3A = math.log1p %get3A_4 : vector<256x256xf32>
    %exp3A = math.exp %log1p3A : vector<256x256xf32>
    %max3A = arith.constant 1.000000e+00 : f32
    %max3A_17 = vector.broadcast %max3A : f32 to vector<256x256xf32>
    %max3A_18 = arith.maximumf %exp3A, %max3A_17 : vector<256x256xf32>
    %swap3A = arith.constant 0 : index
    %swap3A_19 = arith.constant 0 : index
    %swap3A_20 = arith.constant 0 : index
    %swap3A_21 = arith.constant 0 : index
    %swap3A_22 = vector.load %arg3[%swap3A, %swap3A_19, %swap3A_20, %swap3A_21] : memref<1x4x256x256xf32, #tpu.memory_space<vmem>>, vector<1x1x256x256xf32>
    %swap3A_23 = vector.shape_cast %swap3A_22 : vector<1x1x256x256xf32> to vector<256x256xf32>
    %swap3A_24 = vector.shape_cast %log1p3A : vector<256x256xf32> to vector<1x1x256x256xf32>
    tpu.vector_store %arg3[%swap3A, %swap3A_19, %swap3A_20, %swap3A_21], %swap3A_24 {strides = array<i32>} : memref<1x4x256x256xf32, #tpu.memory_space<vmem>>, vector<1x1x256x256xf32>,
    %swap3A_25 = arith.constant 0 : index
    %swap3A_26 = arith.constant 1 : index
    %swap3A_27 = arith.constant 0 : index
    %swap3A_28 = arith.constant 0 : index
    %swap3A_29 = vector.load %arg3[%swap3A_25, %swap3A_26, %swap3A_27, %swap3A_28] : memref<1x4x256x256xf32, #tpu.memory_space<vmem>>, vector<1x1x256x256xf32>
    %swap3A_30 = vector.shape_cast %swap3A_29 : vector<1x1x256x256xf32> to vector<256x256xf32>
    %swap3A_31 = vector.shape_cast %get3A_10 : vector<256x256xf32> to vector<1x1x256x256xf32>
    tpu.vector_store %arg3[%swap3A_25, %swap3A_26, %swap3A_27, %swap3A_28], %swap3A_31 {strides = array<i32>} : memref<1x4x256x256xf32, #tpu.memory_space<vmem>>, vector<1x1x256x256xf32>,
    %div3A = arith.divf %get3A_10, %max3A_18 : vector<256x256xf32>
    %swap3A_32 = arith.constant 0 : index
    %swap3A_33 = arith.constant 2 : index
    %swap3A_34 = arith.constant 0 : index
    %swap3A_35 = arith.constant 0 : index
    %swap3A_36 = vector.load %arg3[%swap3A_32, %swap3A_33, %swap3A_34, %swap3A_35] : memref<1x4x256x256xf32, #tpu.memory_space<vmem>>, vector<1x1x256x256xf32>
    %swap3A_37 = vector.shape_cast %swap3A_36 : vector<1x1x256x256xf32> to vector<256x256xf32>
    %swap3A_38 = vector.shape_cast %div3A : vector<256x256xf32> to vector<1x1x256x256xf32>
    tpu.vector_store %arg3[%swap3A_32, %swap3A_33, %swap3A_34, %swap3A_35], %swap3A_38 {strides = array<i32>} : memref<1x4x256x256xf32, #tpu.memory_space<vmem>>, vector<1x1x256x256xf32>,
    %div3A_39 = arith.divf %get3A_16, %max3A_18 : vector<256x256xf32>
    %swap3A_40 = arith.constant 0 : index
    %swap3A_41 = arith.constant 3 : index
    %swap3A_42 = arith.constant 0 : index
    %swap3A_43 = arith.constant 0 : index
    %swap3A_44 = vector.load %arg3[%swap3A_40, %swap3A_41, %swap3A_42, %swap3A_43] : memref<1x4x256x256xf32, #tpu.memory_space<vmem>>, vector<1x1x256x256xf32>
    %swap3A_45 = vector.shape_cast %swap3A_44 : vector<1x1x256x256xf32> to vector<256x256xf32>
    %swap3A_46 = vector.shape_cast %div3A_39 : vector<256x256xf32> to vector<1x1x256x256xf32>
    tpu.vector_store %arg3[%swap3A_40, %swap3A_41, %swap3A_42, %swap3A_43], %swap3A_46 {strides = array<i32>} : memref<1x4x256x256xf32, #tpu.memory_space<vmem>>, vector<1x1x256x256xf32>,
    return
  }
  func.func @transform_0(%arg0: i32) -> (i32, i32, i32, i32) {
    %c0_i32 = arith.constant 0 : i32
    %c0_i32_0 = arith.constant 0 : i32
    %c0_i32_1 = arith.constant 0 : i32
    %c0_i32_2 = arith.constant 0 : i32
    return %arg0, %c0_i32, %c0_i32_0, %c0_i32_1 : i32, i32, i32, i32
  }
  func.func @transform_2(%arg0: i32) -> (i32, i32, i32, i32) {
    %c0_i32 = arith.constant 0 : i32
    %c0_i32_0 = arith.constant 0 : i32
    %c0_i32_1 = arith.constant 0 : i32
    %c0_i32_2 = arith.constant 0 : i32
    return %arg0, %c0_i32, %c0_i32_0, %c0_i32_1 : i32, i32, i32, i32
  }
}

</mosaic_0001>

<sc_bundles>
// kernel: kernel.6.cloned.1.call-start
scs
__scs_entry_jumppad:
0x0: {  	(pc) =	sbr.rel $0x88, $3  }
0x1: {  	(tag) =	ssettag $0x0;
	lr =	simm.s32 $0x1  }
0x2: {  	[smem:$0x3FA0] =	sst lr;
	_ =	strace $0xD0000000  }
0x3: {  	_ = 	snop  }
0x4: {  	_ = 	snop  }
0x5: {  	_ = 	snop  }
0x6: {  	_ = 	snop  }
0x7: {  	_ = 	snop  }
__scs_overlays_trampoline_lowered:
0x8: {  	[smem:$0x3FAF] =	sst s0  }
0x9: {  	[smem:$0x3FB0] =	sst s1  }
0xa: {  	[smem:$0x3FB1] =	sst s2  }
0xb: {  	[smem:$0x3FB2] =	sst s3  }
0xc: {  	[smem:$0x3FB3] =	sst s4  }
0xd: {  	[smem:$0x3FB4] =	sst s5  }
0xe: {  	[smem:$0x3FB5] =	sst s6  }
0xf: {  	[smem:$0x3FB6] =	sst s7  }
0x10: {  	[smem:$0x3FB7] =	sst s8  }
0x11: {  	[smem:$0x3FB8] =	sst s9;
	s0 =	simm.s32 @!p0 $0x0  }
0x12: {  	s1 =	sld [smem:$0x3F9E];
	s0 =	simm.s32 @p0 $0x1  }
0x13: {  	[smem:$0x3FB9] =	sst s0;
	s0 =	simm.s32 @!p1 $0x0  }
0x14: {  	s2 =	sld [smem:$0x3F9D];
	s0 =	simm.s32 @p1 $0x1  }
0x15: {  	[smem:$0x3FBA] =	sst s0;
	s0 =	simm.s32 @!p2 $0x0  }
0x16: {  	s3 =	sld [smem:$0x3FDB];
	s0 =	simm.s32 @p2 $0x1  }
0x17: {  	s4 =	simm.s32 $0x1BF5;
	[smem:$0x3FBC] =	sst s0  }
0x18: {  	s0 =	sld [smem:$0x3F9F];
	_ =	swait.ge [sflag:s4], $0x0  }
0x19: {  	s7 =	sld [smem:$0x3FA0]  }
0x1a: {  	s8 =	sadd.s32 $0xFFFFE003, lr  }
0x1b: {  	s9 =	sadd.s32 $0xFFFFFEF7, lr;
	s5 =	simm.s32 $0xFFFFFFFF;
	p2 =	slt.u32 s8, $0xFFFFF086  }
0x1c: {  	p1 =	slt.u32 s9, $0xF7A;
	s5 =	simm.s32 @!p2 $0x0  }
0x1d: {  	s5 =	simm.s32 @p1 $0x1;
	p0 =	seq.s32 s7, s2  }
0x1e: {  	s7 =	smul.u32 @!p0 $0xF7A, s2;
	p2 =	seq.s32 @!p0 s5, $0x0  }
0x1f: {  	s9 =	smul.u32 $0xF7A, s1;
	s8 =	simm.s32 @!p0 $0x1BF5;
	p2 =	por !p2, p0  }
0x20: {  	[sflag:s8] =	ssyncset.s32 @!p0 $0xFFFFF086;
	s6 =	sadd.s32 @!p0 s3, s7;
	s7 =	simm.s32 @!p0 $0x108  }
0x21: {  	s3 =	sadd.s32 s3, s9;
	s6 =	sadd.s32 @!p0 $0x88, s6;
	s7 =	simm.s32 @p2 $0x1082  }
0x22: {  	[simem:s7], [sflag:s8] =	dma.local @!p0 [hbm:s6], $0xF7A  }
0x23: {  	s9 =	sor.u32 $0xD0000000, s2;
	s6 =	simm.s32 $0x108;
	_ =	swait.ge @!p0 [sflag:s8], $0x0  }
0x24: {  	s3 =	sadd.s32 $0x88, s3;
	s6 =	simm.s32 @!p1 $0x1082;
	[sflag:s4] =	ssyncset.s32 $0xFFFFF086  }
0x25: {  	[simem:s6], [sflag:s4] =	dma.local [hbm:s3], $0xF7A  }
0x26: {  	[smem:$0x3FA0] =	sst s1;
	(tag) =	ssettag s2;
	_ =	strace s9  }
0x27: {  	s1 =	sld [smem:$0x3FB0]  }
0x28: {  	s2 =	sld [smem:$0x3FB1]  }
0x29: {  	s4 =	sld [smem:$0x3FB3]  }
0x2a: {  	p0 =	seq.s32 s5, $0x0;
	s5 =	sld [smem:$0x3FB4]  }
0x2b: {  	s6 =	sld [smem:$0x3FB5]  }
0x2c: {  	s7 =	sld [smem:$0x3FB6]  }
0x2d: {  	s3 =	simm.s32 $0x108;
	s8 =	sld [smem:$0x3FB7]  }
0x2e: {  	s3 =	simm.s32 @!p0 $0x1082;
	s9 =	sld [smem:$0x3FB8]  }
0x2f: {  	lr =	sadd.s32 s0, s3;
	s0 =	sld [smem:$0x3FAF]  }
0x30: {  	s3 =	sld [smem:$0x3FB2]  }
0x31: {  	[smem:$0x3FBB] =	sst s10  }
0x32: {  	s10 =	sld [smem:$0x3FB9];
	_ =	sdelay $0x3  }
0x33: {  	p0 =	seq.s32 s10, $0x1;
	s10 =	sld [smem:$0x3FBB];
	_ =	sdelay $0x3  }
0x34: {  	[smem:$0x3FBB] =	sst s10  }
0x35: {  	s10 =	sld [smem:$0x3FBA];
	_ =	sdelay $0x3  }
0x36: {  	p1 =	seq.s32 s10, $0x1;
	s10 =	sld [smem:$0x3FBB];
	_ =	sdelay $0x3  }
0x37: {  	[smem:$0x3FBB] =	sst s10  }
0x38: {  	s10 =	sld [smem:$0x3FBC]  }
0x39: {  	_ = 	snop;
	(pc) =	sbr.ind lr, $3  }
0x3a: {  	_ = 	snop  }
0x3b: {  	_ = 	snop  }
0x3c: {  	p2 =	seq.s32 s10, $0x1;
	s10 =	sld [smem:$0x3FBB]  }
0x3d: {  	_ =	shalt  }
0x3e: {  	_ =	shalt  }
0x3f: {  	_ =	shalt  }
0x40: {  	_ =	shalt  }
0x41: {  	_ =	shalt  }
0x42: {  	_ =	shalt  }
0x43: {  	_ =	shalt  }
0x44: {  	_ =	shalt  }
0x45: {  	_ =	shalt  }
0x46: {  	_ =	shalt  }
0x47: {  	_ =	shalt  }
0x48: {  	_ =	shalt  }
0x49: {  	_ =	shalt  }
0x4a: {  	_ =	shalt  }
0x4b: {  	_ =	shalt  }
0x4c: {  	_ =	shalt  }
0x4d: {  	_ =	shalt  }
0x4e: {  	_ =	shalt  }
0x4f: {  	_ =	shalt  }
0x50: {  	_ =	shalt  }
0x51: {  	_ =	shalt  }
0x52: {  	_ =	shalt  }
0x53: {  	_ =	shalt  }
0x54: {  	_ =	shalt  }
0x55: {  	_ =	shalt  }
0x56: {  	_ =	shalt  }
0x57: {  	_ =	shalt  }
0x58: {  	_ =	shalt  }
0x59: {  	_ =	shalt  }
0x5a: {  	_ =	shalt  }
0x5b: {  	_ =	shalt  }
0x5c: {  	_ =	shalt  }
0x5d: {  	_ =	shalt  }
0x5e: {  	_ =	shalt  }
0x5f: {  	_ =	shalt  }
0x60: {  	_ =	shalt  }
0x61: {  	_ =	shalt  }
0x62: {  	_ =	shalt  }
0x63: {  	_ =	shalt  }
0x64: {  	_ =	shalt  }
0x65: {  	_ =	shalt  }
0x66: {  	_ =	shalt  }
0x67: {  	_ =	shalt  }
0x68: {  	_ =	shalt  }
0x69: {  	_ =	shalt  }
0x6a: {  	_ =	shalt  }
0x6b: {  	_ =	shalt  }
0x6c: {  	_ =	shalt  }
0x6d: {  	_ =	shalt  }
0x6e: {  	_ =	shalt  }
0x6f: {  	_ =	shalt  }
0x70: {  	_ =	shalt  }
0x71: {  	_ =	shalt  }
0x72: {  	_ =	shalt  }
0x73: {  	_ =	shalt  }
0x74: {  	_ =	shalt  }
0x75: {  	_ =	shalt  }
0x76: {  	_ =	shalt  }
0x77: {  	_ =	shalt  }
0x78: {  	_ =	shalt  }
0x79: {  	_ =	shalt  }
0x7a: {  	_ =	shalt  }
0x7b: {  	_ =	shalt  }
0x7c: {  	_ =	shalt  }
0x7d: {  	_ =	shalt  }
0x7e: {  	_ =	shalt  }
0x7f: {  	_ =	shalt  }
0x80: {  	_ =	shalt  }
0x81: {  	_ =	shalt  }
0x82: {  	_ =	shalt  }
0x83: {  	_ =	shalt  }
0x84: {  	_ =	shalt  }
0x85: {  	_ =	shalt  }
0x86: {  	_ =	shalt  }
0x87: {  	_ =	shalt  }
.Lfunc_end0:
.L_simem_size_0:
called_computation_lowered:
.L_overlay_start_0:
0x88: {  	s2 =	sld [smem:$0x3FD9]  }
0x89: {  	s3 =	sld [smem:$0x3FFE];
	_ =	sdelay $0x1  }
0x8a: {  	s1 =	srdreg.scid  }
0x8b: {  	s0 =	sand.u32 $0x1, s1  }
0x8c: {  	s16 =	sshll.u32 s0, $0xA;
	s2 =	sadd.s32 s3, s2  }
0x8d: {  	s2 =	sadd.s32 s2, s16  }
0x8e: {  	[smem:$0x3FC7] =	sst s2  }
0x8f: {  	_ = 	snop  }
0x90: {  	(tm) =	ssettm $0x1  }
0x91: {  	s17 =	sld [smem:$0x3FFB];
	_ =	sdelay $0x3  }
0x92: {  	_ =	strace s17  }
0x93: {  	s2 =	sld [smem:$0x3FFC];
	_ =	sdelay $0x3  }
0x94: {  	_ =	strace s2  }
0x95: {  	s2 =	sld [smem:$0x3FFD];
	_ =	sdelay $0x3  }
0x96: {  	_ =	strace s2  }
0x97: {  	_ =	strace $0x8FFFFFFF  }
0x98: {  	s18 =	sld [smem:$0x3FDB];
	_ =	sdelay $0x1  }
0x99: {  	s19 =	simm.s32 $_scs_section_size  }
0x9a: {  	s4 =	simm.s32 $_size__tile_overlayer_lowered;
	s5 =	simm.s32 $_tile_overlayer_lowered  }
0x9b: {  	s22 =	simm.s32 $0x1BFF;
	s21 =	sshll.u32 s5, $0x1;
	s2 =	sadd.s32 s19, s18  }
0x9c: {  	s6 =	simm.s32 $0x0;
	s20 =	sshll.u32 s4, $0x1;
	s4 =	sadd.s32 s21, s2  }
0x9d: {  	[timem:s6], [sflag:s22] =	dma.local [hbm:s4], s20  }
0x9e: {  	_ =	swait.ge [sflag:s22], s20  }
0x9f: {  	s3 =	ssub.s32 $0x0, s20;
	[sflag:s22] =	ssyncset.done $0x0  }
0xa0: {  	[sflag:s22] =	ssyncadd.s32 s3;
	_ =	sdelay $0x1  }
0xa1: {  	s23 =	simm.s32 $0x1B8B  }
0xa2: {  	_ =	swait.ge [sflag:s23], $0x1  }
0xa3: {  	[sflag:s23] =	ssyncset.done $0x0  }
0xa4: {  	s25 =	simm.s32 $0x1B8E;
	s24 =	sld [smem:$0x3FFE];
	[sflag:s23] =	ssyncadd.s32 $0xFFFFFFFF  }
0xa5: {  	s26 =	simm.s32 $execute0_lowered;
	[smem:$0x3FD2] =	sst s25  }
0xa6: {  	s4 =	sshll.u32 s26, $0x1;
	_ =	strace $0x80000046;
	[dreg:$0x1] =	wrdreg $0xFFFFFFFF  }
0xa7: {  	s28 =	simm.s32 $_size_execute0_lowered;
	s2 =	sadd.s32 s2, s4;
	[dreg:$0x0] =	wrdreg $0x0  }
0xa8: {  	s4 =	sshll.u32 s28, $0x1;
	[dreg:$0x2] =	wrdreg s2  }
0xa9: {  	[dreg:$0x3] =	wrdreg s4  }
0xaa: {  	[dreg:$0x4] =	wrdreg $0xC0  }
0xab: {  	_ =	task [dreg:s6], $0x5FFFF  }
0xac: {  	[dreg:$0x1] =	wrdreg $0xFFFFFFFF  }
0xad: {  	[dreg:$0x0] =	wrdreg $0x60  }
0xae: {  	[dreg:$0x2] =	wrdreg s24  }
0xaf: {  	[dreg:$0x3] =	wrdreg $0x9  }
0xb0: {  	_ =	task.clear_ibuf [dreg:s6], $0x4FFFF;
	_ =	strace $0x90000046  }
0xb1: {  	s29 =	simm.s32 $0x9;
	_ =	strace $0x80000048  }
0xb2: {  	_ =	swait.ge [sflag:s29], $0x1  }
0xb3: {  	[sflag:s29] =	ssyncadd.s32 $0xFFFFFFFF  }
0xb4: {  	_ =	strace $0x90000048  }
0xb5: {  	_ =	sfence  }
0xb6: {  	s30 =	sld [smem:$0x0];
	_ =	sdelay $0x2  }
0xb7: {  	s31 =	sshll.u32 s1, $0xD;
	s1 =	sshrl.u32 s1, $0x2  }
0xb8: {  	s3 =	sand.u32 $0x4000, s31;
	s1 =	sadd.s32 s1, s30  }
0xb9: {  	s0 =	sor.u32 s3, s0;
	s1 =	sshll.u32 s1, $0x11  }
0xba: {  	s0 =	sor.u32 s1, s0  }
0xbb: {  	s0 =	sadd.s32 $0x8F2B, s0  }
0xbc: {  	[sflag:s0] =	ssyncadd.remote.s32 $0x1  }
0xbd: {  	_ =	sfence.sel $0xFFFF  }
0xbe: {  	[dreg:$0x0] =	wrdreg $0xFFFFFFFF;
	(pc) =	sbr.abs _section_cstart, $3  }
0xbf: {  	[dreg:$0x1] =	wrdreg $0xFFFFFFFF  }
0xc0: {  	_ =	task.clear_ibuf [dreg:s6], $0x2FFFF;
	_ =	strace $0x9FFFFFFF  }
0xc1: {  	(tm) =	ssettm $0x7FFFFFFF  }
tec
execute0_lowered:
.L_overlay_start_1:
0x0: {  	(tag) =	ssettag $0x1  }
0x1: {  	s2 =	rddreg [dreg:$0x0];
	s4 =	stileid.u32  }
0x2: {  	s3 =	simm.s32 $0x0;
	s0 =	srdreg.scid;
	s17 =	simm.s32 $0x1  }
0x3: {  	s18 =	simm.s32 $0x3A98;
	s19 =	simm.s32 $0x4E20;
	s20 =	simm.s32 $0x61A8  }
0x4: {  	s21 =	simm.s32 $0x7530;
	s22 =	simm.s32 $0xB530;
	s23 =	simm.s32 $0xF530  }
0x5: {  	s24 =	simm.s32 $0x2;
	s25 =	simm.s32 $0x3;
	s26 =	simm.s32 $0x0  }
0x6: {  	s1 =	sshll.u32 s4, $0x1;
	s0 =	sand.u32 $0x1, s0;
	s5 =	sshrl.u32 s4, $0x1  }
0x7: {  	[smem:$0x7FF] =	sst s3;
	s4 =	sadd.s32 $0x31000, s2;
	s6 =	smul.u32 $0x30000, s5  }
0x8: {  	s1 =	sand.u32 $0x2, s1;
	_ =	strace $0x80000047;
	s7 =	smul.u32 $0x186A0, s5  }
0x9: {  	s5 =	sadd.s32 $0x18800, s2;
	s1 =	sor.u32 s0, s1;
	s0 =	ssub.s32 $0x2, s0  }
0xa: {  	s1 =	sshll.u32 s1, $0xE;
	s8 =	sshrl.u32 s0, $0x1;
	s30 =	sshrl.u32 s7, $0x3  }
0xb: {  	s10 =	sadd.s32 $0x2710, s7;
	s6 =	sor.u32 s6, s1;
	s9 =	sadd.s32 s4, s30  }
0xc: {  	s0 =	ssub.s32 s0, s8;
	s31 =	sadd.s32 s5, s30;
	[dreg:$0x2] =	wrdreg s9  }
0xd: {  	s8 =	sadd.s32 s2, s30;
	s6 =	sshrl.u32 s6, $0x3;
	[dreg:$0x3] =	wrdreg s31  }
0xe: {  	s9 =	sadd.s32 $0x1388, s7;
	s14 =	smax.u32 s0, $0x1;
	s6 =	sadd.s32 s6, s2  }
0xf: {  	v1 =	vimm.f32 $0.0e+00;
	v2 =	vimm.f32 $1.000000000e+00;
	v0 =	vmov s1;
	s11 =	sadd.s32 $0x49800, s6;
	s12 =	sadd.s32 $0x4B800, s6;
	s13 =	sadd.s32 $0x4D800, s6  }
.LBB2_1:
0x10: {  	s0 =	simm.s32 $0x7570  }
0x11: {  	[tilespmem:s0+$0xFFFFFFD0] =	vst v1  }
0x12: {  	[tilespmem:s0+$0x0] =	vst v1  }
0x13: {  	[tilespmem:s0+$0xFFFFFFC0] =	vst v1  }
0x14: {  	[tilespmem:s0+$0x30] =	vst v1  }
0x15: {  	[tilespmem:s0+$0xFFFFFFF0] =	vst v1  }
0x16: {  	[tilespmem:s0+$0xFFFFFFE0] =	vst v1  }
0x17: {  	[tilespmem:s0+$0x10] =	vst v1  }
0x18: {  	s6 =	simm.s32 $0xB570;
	[tilespmem:s0+$0x20] =	vst v1  }
0x19: {  	[tilespmem:s6+$0xFFFFFFC0] =	vst v1  }
0x1a: {  	[tilespmem:s6+$0x30] =	vst v1  }
0x1b: {  	[tilespmem:s6+$0x0] =	vst v1  }
0x1c: {  	[tilespmem:s6+$0x20] =	vst v1  }
0x1d: {  	[tilespmem:s6+$0x10] =	vst v1  }
0x1e: {  	[tilespmem:s6+$0xFFFFFFD0] =	vst v1  }
0x1f: {  	[tilespmem:s6+$0xFFFFFFE0] =	vst v1  }
0x20: {  	s1 =	simm.s32 $0xF570;
	[tilespmem:s6+$0xFFFFFFF0] =	vst v1  }
0x21: {  	[tilespmem:s1+$0xFFFFFFC0] =	vst v1  }
0x22: {  	[tilespmem:s1+$0x30] =	vst v1  }
0x23: {  	[tilespmem:s1+$0x20] =	vst v1  }
0x24: {  	[tilespmem:s1+$0x10] =	vst v1  }
0x25: {  	s7 =	simm.s32 $0x0;
	s15 =	simm.s32 $0xF5F0;
	[tilespmem:s1+$0xFFFFFFD0] =	vst v1  }
.LBB2_2:
0x26: {  	s7 =	sadd.s32 $0x80, s7;
	[tilespmem:s1+$0xFFFFFFE0] =	vst v1;
	s0 =	sadd.s32 $0x80, s0;
	s6 =	sadd.s32 $0x80, s6  }
0x27: {  	p0 =	slt.u32 s7, $0x3F80;
	[tilespmem:s1+$0x0] =	vst v1  }
0x28: {  	[tilespmem:s1+$0xFFFFFFF0] =	vst v1;
	s1 =	smov.u32 s15  }
0x29: {  	[tilespmem:s0+$0xFFFFFFD0] =	vst v1  }
0x2a: {  	[tilespmem:s0+$0x0] =	vst v1  }
0x2b: {  	[tilespmem:s0+$0xFFFFFFC0] =	vst v1  }
0x2c: {  	[tilespmem:s6+$0xFFFFFFC0] =	vst v1  }
0x2d: {  	[tilespmem:s15+$0xFFFFFFC0] =	vst v1  }
0x2e: {  	[tilespmem:s0+$0x30] =	vst v1  }
0x2f: {  	[tilespmem:s6+$0x30] =	vst v1  }
0x30: {  	[tilespmem:s15+$0x30] =	vst v1  }
0x31: {  	[tilespmem:s6+$0x0] =	vst v1  }
0x32: {  	[tilespmem:s0+$0xFFFFFFF0] =	vst v1  }
0x33: {  	[tilespmem:s0+$0xFFFFFFE0] =	vst v1  }
0x34: {  	[tilespmem:s0+$0x10] =	vst v1  }
0x35: {  	[tilespmem:s0+$0x20] =	vst v1  }
0x36: {  	[tilespmem:s6+$0x20] =	vst v1  }
0x37: {  	[tilespmem:s15+$0x20] =	vst v1  }
0x38: {  	[tilespmem:s6+$0x10] =	vst v1  }
.Ltmp0:
0x39: {  	[tilespmem:s15+$0x10] =	vst v1;
	(pc) =	sbr.rel @p0 .LBB2_2-.Ltmp0, $4  }
0x3a: {  	[tilespmem:s6+$0xFFFFFFD0] =	vst v1  }
0x3b: {  	[tilespmem:s6+$0xFFFFFFE0] =	vst v1  }
0x3c: {  	[tilespmem:s15+$0xFFFFFFD0] =	vst v1  }
0x3d: {  	s15 =	sadd.s32 $0x80, s15;
	[tilespmem:s6+$0xFFFFFFF0] =	vst v1  }
0x3e: {  	[tilespmem:s1+$0xFFFFFFE0] =	vst v1  }
0x3f: {  	[tilespmem:s1+$0x0] =	vst v1  }
0x40: {  	[tilespmem:s1+$0xFFFFFFF0] =	vst v1  }
0x41: {  	s28 =	simm.s32 $0x0;
	s0 =	rddreg [dreg:$0x2]  }
0x42: {  	[tilespmem:s28], [sflag:$0x1] =	stream.linear.gather [hbm4b:s0+s28], $0x1388, $0x38;
	[tilespmem:$0x13530] =	vst v63  }
0x43: {  	s30 =	simm.s32 $0x1388;
	s29 =	rddreg [dreg:$0x3]  }
0x44: {  	[tilespmem:s30], [sflag:$0x1] =	stream.linear.gather [hbm4b:s29+s28], $0x1388, $0x38;
	[tilespmem:$0x13530] =	vst v63  }
0x45: {  	s31 =	simm.s32 $0x2710  }
0x46: {  	[tilespmem:s31], [sflag:$0x1] =	stream.linear.gather [hbm4b:s8+s28], $0x1388, $0x38;
	[tilespmem:$0x13530] =	vst v63  }
.LBB2_4:
0x47: {  	_ =	swait.ge [sflag:s17], $0x1388  }
0x48: {  	[sflag:s17] =	ssyncset.done $0x0  }
0x49: {  	[sflag:s17] =	ssyncadd.s32 $0xFFFFEC78  }
0x4a: {  	_ =	swait.ge [sflag:s17], $0x1388  }
0x4b: {  	s29 =	smul.u32 $0x2710, s28;
	[sflag:s17] =	ssyncset.done $0x0  }
0x4c: {  	[sflag:s17] =	ssyncadd.s32 $0xFFFFEC78  }
0x4d: {  	s0 =	sadd.s32 s29, s9;
	_ =	swait.ge [sflag:s17], $0x1388  }
0x4e: {  	s0 =	sshrl.u32 s0, $0x3;
	[sflag:s17] =	ssyncset.done $0x0  }
0x4f: {  	s1 =	sadd.s32 s4, s0;
	[sflag:s17] =	ssyncadd.s32 $0xFFFFEC78  }
0x50: {  	[tilespmem:s18], [sflag:$0x2] =	stream.linear.gather [hbm4b:s1+s3], $0x1388, $0x38;
	[tilespmem:$0x13530] =	vst v63  }
0x51: {  	s15 =	sadd.s32 s5, s0  }
0x52: {  	[tilespmem:s19], [sflag:$0x2] =	stream.linear.gather [hbm4b:s15+s3], $0x1388, $0x38;
	[tilespmem:$0x13530] =	vst v63  }
0x53: {  	s16 =	simm.s32 $0x20;
	s0 =	sadd.s32 s2, s0  }
0x54: {  	[tilespmem:s20], [sflag:$0x2] =	stream.linear.gather [hbm4b:s0+s3], $0x1388, $0x38;
	[tilespmem:$0x13530] =	vst v63  }
0x55: {  	v3 =	vld [tilespmem:s16+$0x20]  }
0x56: {  	v4 =	vld [tilespmem:s16+$0xFFFFFFF0]  }
0x57: {  	v5 =	vld [tilespmem:s16+$0x0];
	_ =	sdelay $0x2  }
0x58: {  	v6 =	vld [tilespmem:s16+$0xFFFFFFE0]  }
0x59: {  	v7 =	vsub.s32 v3, v0;
	v3 =	vand.u32 $0x7, v3;
	v9 =	vsub.s32 v4, v0  }
0x5a: {  	v10 =	vsub.s32 v5, v0;
	v4 =	vand.u32 $0x7, v4;
	v5 =	vand.u32 $0x7, v5  }
0x5b: {  	vm4 =	vlt.u32 v7, $0x4000;
	v7 =	vand.u32 $0xFFFFFFF8, v7;
	v11 =	vand.u32 $0xFFFFFFF8, v9  }
0x5c: {  	v13 =	vand.u32 $0xFFFFFFF8, v10;
	vm1 =	vlt.u32 v9, $0x4000;
	v7 =	vor.u32 v3, v7  }
0x5d: {  	v8 =	vld [tilespmem:s16+$0x10];
	vm2 =	vlt.u32 v10, $0x4000;
	v3 =	vsub.s32 v6, v0;
	vm1 =	vmmov vm1  }
0x5e: {  	v6 =	vand.u32 $0x7, v6;
	v4 =	vor.u32 v4, v11;
	vm2 =	vmmov vm2  }
0x5f: {  	v5 =	vor.u32 v5, v13;
	v12 =	vand.u32 $0xFFFFFFF8, v3;
	vm0 =	vlt.u32 v3, $0x4000  }
0x60: {  	v3 =	vor.u32 v6, v12  }
0x61: {  	s30 =	simm.s32 $0x13A8;
	[tilespmem:v7+s21+$0x0] =	vst.idx.add.f32.msk vm4, v2  }
0x62: {  	v14 =	vsub.s32 v8, v0;
	v9 =	vld [tilespmem:s30+$0x20]  }
0x63: {  	vm3 =	vlt.u32 v14, $0x4000;
	[tilespmem:v4+s21+$0x0] =	vst.idx.add.f32.msk vm1, v2  }
0x64: {  	v8 =	vand.u32 $0x7, v8;
	vm3 =	vmmov vm3;
	v6 =	vand.u32 $0xFFFFFFF8, v14;
	[tilespmem:v5+s21+$0x0] =	vst.idx.add.f32.msk vm2, v2  }
0x65: {  	v6 =	vor.u32 v8, v6;
	[tilespmem:v3+s21+$0x0] =	vst.idx.add.f32.msk vm0, v2  }
0x66: {  	v11 =	vld [tilespmem:s30+$0xFFFFFFE0]  }
0x67: {  	s16 =	simm.s32 $0x2730;
	[tilespmem:v7+s22+$0x0] =	vst.idx.add.f32.msk vm4, v9  }
0x68: {  	v8 =	vld [tilespmem:s16+$0x20]  }
0x69: {  	v10 =	vld [tilespmem:s30+$0xFFFFFFF0]  }
0x6a: {  	[tilespmem:v6+s21+$0x0] =	vst.idx.add.f32.msk vm3, v2  }
0x6b: {  	v9 =	vld [tilespmem:s30+$0x0]  }
0x6c: {  	[tilespmem:v3+s22+$0x0] =	vst.idx.add.f32.msk vm0, v11  }
0x6d: {  	[tilespmem:v7+s23+$0x0] =	vst.idx.add.f32.msk vm4, v8  }
0x6e: {  	s6 =	simm.s32 $0x0;
	s31 =	simm.s32 $0x1360;
	s7 =	simm.s32 $0x70;
	v8 =	vld [tilespmem:s30+$0x10]  }
0x6f: {  	s1 =	simm.s32 $0x3A70;
	s15 =	simm.s32 $0x26E8;
	s0 =	simm.s32 $0x1350;
	v7 =	vld [tilespmem:s16+$0xFFFFFFE0]  }
.LBB2_5:
0x70: {  	v11 =	vld [tilespmem:s7+$0x20];
	s6 =	sadd.s32 $0x50, s6  }
0x71: {  	v12 =	vld [tilespmem:s7+$0xFFFFFFF0];
	p0 =	slt.u32 s6, $0x1310  }
0x72: {  	v13 =	vld [tilespmem:s7+$0x0]  }
0x73: {  	v14 =	vld [tilespmem:s7+$0x10]  }
0x74: {  	v15 =	vld [tilespmem:s7+$0xFFFFFFE0]  }
0x75: {  	v16 =	vsub.s32 v11, v0;
	[tilespmem:v4+s22+$0x0] =	vst.idx.add.f32.msk vm1, v10  }
0x76: {  	v11 =	vand.u32 $0x7, v11;
	vm4 =	vlt.u32 v16, $0x4000;
	v10 =	vand.u32 $0xFFFFFFF8, v16;
	[tilespmem:v5+s22+$0x0] =	vst.idx.add.f32.msk vm2, v9  }
0x77: {  	v9 =	vsub.s32 v12, v0;
	v16 =	vsub.s32 v13, v0;
	v10 =	vor.u32 v11, v10;
	v11 =	vld [tilespmem:s16+$0xFFFFFFF0]  }
0x78: {  	v17 =	vand.u32 $0xFFFFFFF8, v9;
	v18 =	vand.u32 $0xFFFFFFF8, v16;
	v19 =	vsub.s32 v14, v0;
	[tilespmem:v6+s22+$0x0] =	vst.idx.add.f32.msk vm3, v8  }
0x79: {  	v8 =	vsub.s32 v15, v0;
	v15 =	vand.u32 $0x7, v15;
	v20 =	vand.u32 $0xFFFFFFF8, v19;
	v21 =	vld [tilespmem:s16+$0x0]  }
0x7a: {  	v12 =	vand.u32 $0x7, v12;
	v13 =	vand.u32 $0x7, v13;
	v22 =	vand.u32 $0xFFFFFFF8, v8;
	v23 =	vld [tilespmem:s16+$0x10]  }
0x7b: {  	v14 =	vand.u32 $0x7, v14;
	[tilespmem:v3+s23+$0x0] =	vst.idx.add.f32.msk vm0, v7;
	v3 =	vor.u32 v15, v22;
	vm0 =	vlt.u32 v8, $0x4000  }
0x7c: {  	s30 =	sadd.s32 $0x50, s30;
	vm5 =	vlt.u32 v9, $0x4000;
	vm6 =	vlt.u32 v16, $0x4000;
	v7 =	vor.u32 v12, v17;
	[tilespmem:v10+s21+$0x0] =	vst.idx.add.f32.msk vm4, v2  }
0x7d: {  	vm7 =	vlt.u32 v19, $0x4000;
	v9 =	vor.u32 v14, v20;
	v8 =	vor.u32 v13, v18;
	v12 =	vld [tilespmem:s30+$0x20]  }
0x7e: {  	[tilespmem:v4+s23+$0x0] =	vst.idx.add.f32.msk vm1, v11;
	v4 =	vmov v7;
	vm1 =	vmmov vm5  }
0x7f: {  	[tilespmem:v5+s23+$0x0] =	vst.idx.add.f32.msk vm2, v21;
	v5 =	vmov v8;
	vm2 =	vmmov vm6  }
0x80: {  	[tilespmem:v6+s23+$0x0] =	vst.idx.add.f32.msk vm3, v23;
	v6 =	vmov v9;
	vm3 =	vmmov vm7  }
0x81: {  	[tilespmem:v3+s21+$0x0] =	vst.idx.add.f32.msk vm0, v2  }
0x82: {  	s16 =	sadd.s32 $0x50, s16;
	[tilespmem:v10+s22+$0x0] =	vst.idx.add.f32.msk vm4, v12  }
0x83: {  	v7 =	vld [tilespmem:s16+$0x20]  }
0x84: {  	[tilespmem:v4+s21+$0x0] =	vst.idx.add.f32.msk vm5, v2  }
0x85: {  	[tilespmem:v8+s21+$0x0] =	vst.idx.add.f32.msk vm6, v2  }
0x86: {  	[tilespmem:v9+s21+$0x0] =	vst.idx.add.f32.msk vm7, v2  }
0x87: {  	v11 =	vld [tilespmem:s30+$0xFFFFFFE0]  }
0x88: {  	[tilespmem:v10+s23+$0x0] =	vst.idx.add.f32.msk vm4, v7  }
.Ltmp1:
0x89: {  	v10 =	vld [tilespmem:s30+$0xFFFFFFF0];
	(pc) =	sbr.rel @p0 .LBB2_5-.Ltmp1, $4  }
0x8a: {  	v9 =	vld [tilespmem:s30+$0x0]  }
0x8b: {  	v8 =	vld [tilespmem:s30+$0x10]  }
0x8c: {  	[tilespmem:v3+s22+$0x0] =	vst.idx.add.f32.msk vm0, v11  }
0x8d: {  	s7 =	sadd.s32 $0x50, s7;
	v7 =	vld [tilespmem:s16+$0xFFFFFFE0]  }
0x8e: {  	_ =	sdelay $0x4  }
0x8f: {  	[tilespmem:v4+s22+$0x0] =	vst.idx.add.f32.msk vm1, v10  }
0x90: {  	[tilespmem:v5+s22+$0x0] =	vst.idx.add.f32.msk vm2, v9  }
0x91: {  	v61 =	vld [tilespmem:s16+$0xFFFFFFF0]  }
0x92: {  	[tilespmem:v6+s22+$0x0] =	vst.idx.add.f32.msk vm3, v8  }
0x93: {  	v62 =	vld [tilespmem:s16+$0x0]  }
0x94: {  	v63 =	vld [tilespmem:s16+$0x10];
	_ =	sdelay $0x1  }
0x95: {  	[tilespmem:v3+s23+$0x0] =	vst.idx.add.f32.msk vm0, v7  }
0x96: {  	[tilespmem:v4+s23+$0x0] =	vst.idx.add.f32.msk vm1, v61  }
0x97: {  	[tilespmem:v5+s23+$0x0] =	vst.idx.add.f32.msk vm2, v62  }
0x98: {  	[tilespmem:v6+s23+$0x0] =	vst.idx.add.f32.msk vm3, v63  }
.LBB2_7:
0x99: {  	v3 =	vld [tilespmem:s31+$0x0];
	_ =	sdelay $0x4  }
0x9a: {  	v4 =	vsub.s32 v3, v0  }
0x9b: {  	v3 =	vand.u32 $0x7, v3;
	vm0 =	vlt.u32 v4, $0x4000;
	v4 =	vand.u32 $0xFFFFFFF8, v4  }
0x9c: {  	v3 =	vor.u32 v3, v4;
	_ =	sdelay $0x4  }
0x9d: {  	[tilespmem:v3+s21+$0x0] =	vst.idx.add.f32.msk vm0, v2  }
0x9e: {  	v63 =	vld [tilespmem:s15+$0x0];
	_ =	sdelay $0x4  }
0x9f: {  	s0 =	sadd.s32 $0x10, s0;
	[tilespmem:v3+s22+$0x0] =	vst.idx.add.f32.msk vm0, v63  }
0xa0: {  	p0 =	slt.u32 s0, $0x1378;
	v4 =	vld [tilespmem:s1+$0x0]  }
.Ltmp2:
0xa1: {  	_ = 	snop;
	(pc) =	sbr.rel @p0 .LBB2_7-.Ltmp2, $2  }
0xa2: {  	_ =	sdelay $0x2  }
0xa3: {  	s31 =	sadd.s32 $0x10, s31;
	s15 =	sadd.s32 $0x10, s15;
	s1 =	sadd.s32 $0x10, s1;
	[tilespmem:v3+s23+$0x0] =	vst.idx.add.f32.msk vm0, v4  }
0xa4: {  	p0 =	seq.s32 s28, $0x9  }
0xa5: {  	s0 =	sadd.s32 @!p0 s29, s10  }
0xa6: {  	s0 =	sshrl.u32 @!p0 s0, $0x3  }
0xa7: {  	s6 =	simm.s32 @!p0 $0x0;
	s1 =	sadd.s32 @!p0 s4, s0  }
0xa8: {  	[tilespmem:s6], [sflag:$0x1] =	stream.linear.gather @!p0 [hbm4b:s1+s6], $0x1388, $0x38;
	[tilespmem:$0x13530] =	vst v63  }
0xa9: {  	s7 =	simm.s32 @!p0 $0x1388;
	s1 =	sadd.s32 @!p0 s5, s0  }
0xaa: {  	[tilespmem:s7], [sflag:$0x1] =	stream.linear.gather @!p0 [hbm4b:s1+s6], $0x1388, $0x38;
	[tilespmem:$0x13530] =	vst v63  }
0xab: {  	s0 =	sadd.s32 @!p0 s2, s0;
	s1 =	simm.s32 @!p0 $0x2710  }
0xac: {  	[tilespmem:s1], [sflag:$0x1] =	stream.linear.gather @!p0 [hbm4b:s0+s6], $0x1388, $0x38;
	[tilespmem:$0x13530] =	vst v63  }
0xad: {  	_ =	swait.ge [sflag:s24], $0x1388  }
0xae: {  	[sflag:s24] =	ssyncset.done $0x0  }
0xaf: {  	[sflag:s24] =	ssyncadd.s32 $0xFFFFEC78  }
0xb0: {  	_ =	swait.ge [sflag:s24], $0x1388  }
0xb1: {  	[sflag:s24] =	ssyncset.done $0x0  }
0xb2: {  	[sflag:s24] =	ssyncadd.s32 $0xFFFFEC78  }
0xb3: {  	_ =	swait.ge [sflag:s24], $0x1388  }
0xb4: {  	[sflag:s24] =	ssyncset.done $0x0  }
0xb5: {  	s31 =	simm.s32 $0x3AB8;
	[sflag:s24] =	ssyncadd.s32 $0xFFFFEC78  }
0xb6: {  	v3 =	vld [tilespmem:s31+$0x20]  }
0xb7: {  	v4 =	vld [tilespmem:s31+$0xFFFFFFF0]  }
0xb8: {  	v5 =	vld [tilespmem:s31+$0x0];
	_ =	sdelay $0x2  }
0xb9: {  	v6 =	vld [tilespmem:s31+$0xFFFFFFE0]  }
0xba: {  	v7 =	vsub.s32 v3, v0;
	v3 =	vand.u32 $0x7, v3;
	v9 =	vsub.s32 v4, v0  }
0xbb: {  	v10 =	vsub.s32 v5, v0;
	v4 =	vand.u32 $0x7, v4;
	v5 =	vand.u32 $0x7, v5  }
0xbc: {  	vm4 =	vlt.u32 v7, $0x4000;
	v7 =	vand.u32 $0xFFFFFFF8, v7;
	v11 =	vand.u32 $0xFFFFFFF8, v9  }
0xbd: {  	v13 =	vand.u32 $0xFFFFFFF8, v10;
	vm1 =	vlt.u32 v9, $0x4000;
	v7 =	vor.u32 v3, v7  }
0xbe: {  	v8 =	vld [tilespmem:s31+$0x10];
	vm2 =	vlt.u32 v10, $0x4000;
	v3 =	vsub.s32 v6, v0;
	vm1 =	vmmov vm1  }
0xbf: {  	v6 =	vand.u32 $0x7, v6;
	v4 =	vor.u32 v4, v11;
	vm2 =	vmmov vm2  }
0xc0: {  	v5 =	vor.u32 v5, v13;
	v12 =	vand.u32 $0xFFFFFFF8, v3;
	vm0 =	vlt.u32 v3, $0x4000  }
0xc1: {  	v3 =	vor.u32 v6, v12  }
0xc2: {  	s29 =	simm.s32 $0x4E40;
	[tilespmem:v7+s21+$0x0] =	vst.idx.add.f32.msk vm4, v2  }
0xc3: {  	v14 =	vsub.s32 v8, v0;
	v9 =	vld [tilespmem:s29+$0x20]  }
0xc4: {  	vm3 =	vlt.u32 v14, $0x4000;
	[tilespmem:v4+s21+$0x0] =	vst.idx.add.f32.msk vm1, v2  }
0xc5: {  	v8 =	vand.u32 $0x7, v8;
	vm3 =	vmmov vm3;
	v6 =	vand.u32 $0xFFFFFFF8, v14;
	[tilespmem:v5+s21+$0x0] =	vst.idx.add.f32.msk vm2, v2  }
0xc6: {  	v6 =	vor.u32 v8, v6;
	[tilespmem:v3+s21+$0x0] =	vst.idx.add.f32.msk vm0, v2  }
0xc7: {  	v11 =	vld [tilespmem:s29+$0xFFFFFFE0]  }
0xc8: {  	s15 =	simm.s32 $0x61C8;
	[tilespmem:v7+s22+$0x0] =	vst.idx.add.f32.msk vm4, v9  }
0xc9: {  	v8 =	vld [tilespmem:s15+$0x20]  }
0xca: {  	v10 =	vld [tilespmem:s29+$0xFFFFFFF0]  }
0xcb: {  	[tilespmem:v6+s21+$0x0] =	vst.idx.add.f32.msk vm3, v2  }
0xcc: {  	v9 =	vld [tilespmem:s29+$0x0]  }
0xcd: {  	[tilespmem:v3+s22+$0x0] =	vst.idx.add.f32.msk vm0, v11  }
0xce: {  	[tilespmem:v7+s23+$0x0] =	vst.idx.add.f32.msk vm4, v8  }
0xcf: {  	s30 =	simm.s32 $0x4DF8;
	s16 =	simm.s32 $0x3B08;
	v8 =	vld [tilespmem:s29+$0x10]  }
0xd0: {  	s6 =	simm.s32 $0x0;
	s0 =	simm.s32 $0x7508;
	s1 =	simm.s32 $0x6180;
	v7 =	vld [tilespmem:s15+$0xFFFFFFE0]  }
.LBB2_9:
0xd1: {  	v11 =	vld [tilespmem:s16+$0x20];
	s6 =	sadd.s32 $0x50, s6  }
0xd2: {  	v12 =	vld [tilespmem:s16+$0xFFFFFFF0];
	p0 =	slt.u32 s6, $0x1310  }
0xd3: {  	v13 =	vld [tilespmem:s16+$0x0]  }
0xd4: {  	v14 =	vld [tilespmem:s16+$0x10]  }
0xd5: {  	v15 =	vld [tilespmem:s16+$0xFFFFFFE0]  }
0xd6: {  	v16 =	vsub.s32 v11, v0;
	[tilespmem:v4+s22+$0x0] =	vst.idx.add.f32.msk vm1, v10  }
0xd7: {  	v11 =	vand.u32 $0x7, v11;
	vm4 =	vlt.u32 v16, $0x4000;
	v10 =	vand.u32 $0xFFFFFFF8, v16;
	[tilespmem:v5+s22+$0x0] =	vst.idx.add.f32.msk vm2, v9  }
0xd8: {  	v9 =	vsub.s32 v12, v0;
	v16 =	vsub.s32 v13, v0;
	v10 =	vor.u32 v11, v10;
	v11 =	vld [tilespmem:s15+$0xFFFFFFF0]  }
0xd9: {  	v17 =	vand.u32 $0xFFFFFFF8, v9;
	v18 =	vand.u32 $0xFFFFFFF8, v16;
	v19 =	vsub.s32 v14, v0;
	[tilespmem:v6+s22+$0x0] =	vst.idx.add.f32.msk vm3, v8  }
0xda: {  	v8 =	vsub.s32 v15, v0;
	v15 =	vand.u32 $0x7, v15;
	v20 =	vand.u32 $0xFFFFFFF8, v19;
	v21 =	vld [tilespmem:s15+$0x0]  }
0xdb: {  	v12 =	vand.u32 $0x7, v12;
	v13 =	vand.u32 $0x7, v13;
	v22 =	vand.u32 $0xFFFFFFF8, v8;
	v23 =	vld [tilespmem:s15+$0x10]  }
0xdc: {  	v14 =	vand.u32 $0x7, v14;
	[tilespmem:v3+s23+$0x0] =	vst.idx.add.f32.msk vm0, v7;
	v3 =	vor.u32 v15, v22;
	vm0 =	vlt.u32 v8, $0x4000  }
0xdd: {  	s29 =	sadd.s32 $0x50, s29;
	vm5 =	vlt.u32 v9, $0x4000;
	vm6 =	vlt.u32 v16, $0x4000;
	v7 =	vor.u32 v12, v17;
	[tilespmem:v10+s21+$0x0] =	vst.idx.add.f32.msk vm4, v2  }
0xde: {  	vm7 =	vlt.u32 v19, $0x4000;
	v9 =	vor.u32 v14, v20;
	v8 =	vor.u32 v13, v18;
	v12 =	vld [tilespmem:s29+$0x20]  }
0xdf: {  	[tilespmem:v4+s23+$0x0] =	vst.idx.add.f32.msk vm1, v11;
	v4 =	vmov v7;
	vm1 =	vmmov vm5  }
0xe0: {  	[tilespmem:v5+s23+$0x0] =	vst.idx.add.f32.msk vm2, v21;
	v5 =	vmov v8;
	vm2 =	vmmov vm6  }
0xe1: {  	[tilespmem:v6+s23+$0x0] =	vst.idx.add.f32.msk vm3, v23;
	v6 =	vmov v9;
	vm3 =	vmmov vm7  }
0xe2: {  	[tilespmem:v3+s21+$0x0] =	vst.idx.add.f32.msk vm0, v2  }
0xe3: {  	s15 =	sadd.s32 $0x50, s15;
	[tilespmem:v10+s22+$0x0] =	vst.idx.add.f32.msk vm4, v12  }
0xe4: {  	v7 =	vld [tilespmem:s15+$0x20]  }
0xe5: {  	[tilespmem:v4+s21+$0x0] =	vst.idx.add.f32.msk vm5, v2  }
0xe6: {  	[tilespmem:v8+s21+$0x0] =	vst.idx.add.f32.msk vm6, v2  }
0xe7: {  	[tilespmem:v9+s21+$0x0] =	vst.idx.add.f32.msk vm7, v2  }
0xe8: {  	v11 =	vld [tilespmem:s29+$0xFFFFFFE0]  }
0xe9: {  	s7 =	simm.s32 $0x1350;
	[tilespmem:v10+s23+$0x0] =	vst.idx.add.f32.msk vm4, v7  }
.Ltmp3:
0xea: {  	v10 =	vld [tilespmem:s29+$0xFFFFFFF0];
	(pc) =	sbr.rel @p0 .LBB2_9-.Ltmp3, $4  }
0xeb: {  	v9 =	vld [tilespmem:s29+$0x0]  }
0xec: {  	v8 =	vld [tilespmem:s29+$0x10]  }
0xed: {  	[tilespmem:v3+s22+$0x0] =	vst.idx.add.f32.msk vm0, v11  }
0xee: {  	s16 =	sadd.s32 $0x50, s16;
	v7 =	vld [tilespmem:s15+$0xFFFFFFE0]  }
0xef: {  	_ =	sdelay $0x4  }
0xf0: {  	[tilespmem:v4+s22+$0x0] =	vst.idx.add.f32.msk vm1, v10  }
0xf1: {  	[tilespmem:v5+s22+$0x0] =	vst.idx.add.f32.msk vm2, v9  }
0xf2: {  	v61 =	vld [tilespmem:s15+$0xFFFFFFF0]  }
0xf3: {  	[tilespmem:v6+s22+$0x0] =	vst.idx.add.f32.msk vm3, v8  }
0xf4: {  	v62 =	vld [tilespmem:s15+$0x0]  }
0xf5: {  	v63 =	vld [tilespmem:s15+$0x10];
	_ =	sdelay $0x1  }
0xf6: {  	[tilespmem:v3+s23+$0x0] =	vst.idx.add.f32.msk vm0, v7  }
0xf7: {  	[tilespmem:v4+s23+$0x0] =	vst.idx.add.f32.msk vm1, v61  }
0xf8: {  	[tilespmem:v5+s23+$0x0] =	vst.idx.add.f32.msk vm2, v62  }
0xf9: {  	[tilespmem:v6+s23+$0x0] =	vst.idx.add.f32.msk vm3, v63  }
.LBB2_11:
0xfa: {  	v3 =	vld [tilespmem:s30+$0x0];
	_ =	sdelay $0x4  }
0xfb: {  	v4 =	vsub.s32 v3, v0  }
0xfc: {  	v3 =	vand.u32 $0x7, v3;
	vm0 =	vlt.u32 v4, $0x4000;
	v4 =	vand.u32 $0xFFFFFFF8, v4  }
0xfd: {  	v3 =	vor.u32 v3, v4;
	_ =	sdelay $0x4  }
0xfe: {  	[tilespmem:v3+s21+$0x0] =	vst.idx.add.f32.msk vm0, v2  }
0xff: {  	v63 =	vld [tilespmem:s1+$0x0];
	_ =	sdelay $0x4  }
0x100: {  	s7 =	sadd.s32 $0x10, s7;
	[tilespmem:v3+s22+$0x0] =	vst.idx.add.f32.msk vm0, v63  }
0x101: {  	p0 =	slt.u32 s7, $0x1378;
	v4 =	vld [tilespmem:s0+$0x0]  }
.Ltmp4:
0x102: {  	_ = 	snop;
	(pc) =	sbr.rel @p0 .LBB2_11-.Ltmp4, $2  }
0x103: {  	_ =	sdelay $0x2  }
0x104: {  	s30 =	sadd.s32 $0x10, s30;
	s1 =	sadd.s32 $0x10, s1;
	s0 =	sadd.s32 $0x10, s0;
	[tilespmem:v3+s23+$0x0] =	vst.idx.add.f32.msk vm0, v4  }
0x105: {  	s28 =	sadd.s32 $0x1, s28  }
0x106: {  	p0 =	sne.s32 s28, $0xA  }
.Ltmp5:
0x107: {  	_ = 	snop;
	(pc) =	sbr.rel @p0 .LBB2_4-.Ltmp5, $1  }
0x108: {  	_ =	sdelay $0x3  }
0x109: {  	[hbm4b:s11+s3] =	stream.linear.scatter [tilespmem:s21], [sflag:$0x3], $0x4000, $0x38;
	[tilespmem:$0x13530] =	vst v63  }
0x10a: {  	_ =	swait.ge [sflag:s25], $0x4000  }
0x10b: {  	[sflag:s25] =	ssyncset.done $0x0  }
0x10c: {  	[sflag:s25] =	ssyncadd.s32 $0xFFFFC000  }
0x10d: {  	[hbm4b:s12+s3] =	stream.linear.scatter [tilespmem:s22], [sflag:$0x3], $0x4000, $0x38;
	[tilespmem:$0x13530] =	vst v63  }
0x10e: {  	s26 =	sadd.s32 $0x1, s26;
	_ =	swait.ge [sflag:s25], $0x4000  }
0x10f: {  	p0 =	sne.s32 s26, s14;
	[sflag:s25] =	ssyncset.done $0x0  }
.Ltmp6:
0x110: {  	[sflag:s25] =	ssyncadd.s32 $0xFFFFC000;
	(pc) =	sbr.rel @p0 .LBB2_1-.Ltmp6, $4  }
0x111: {  	[hbm4b:s13+s3] =	stream.linear.scatter [tilespmem:s23], [sflag:$0x3], $0x4000, $0x38;
	[tilespmem:$0x13530] =	vst v63  }
0x112: {  	_ =	swait.ge [sflag:s25], $0x4000  }
0x113: {  	[sflag:s25] =	ssyncset.done $0x0  }
0x114: {  	[sflag:s25] =	ssyncadd.s32 $0xFFFFC000  }
0x115: {  	_ =	sfence.sel $0x180000  }
0x116: {  	[bflag:$0x0] =	sbarrier.arrive $0xFFFF  }
0x117: {  	_ =	strace $0x90000047  }
0x118: {  	s0 =	stileid.u32;
	[bflag:$0x2] =	sbarrier.arrive $0xFFFF  }
0x119: {  	p0 =	sne.s32 s0, $0x0;
	s0 =	rddreg [dreg:$0x1]  }
0x11a: {  	s0 =	sadd.s32 @!p0 $0x100000, s0  }
0x11b: {  	[sflag:s0] =	ssyncadd.tile.s32 @!p0 $0x1;
	_ =	shalt  }
.Lfunc_end2:
_tile_overlayer_lowered:
.L_overlay_start_2:
0x11c: {  	(tag) =	ssettag $0x2  }
0x11d: {  	s0 =	rddreg [dreg:$0x0];
	s2 =	stileid.u32  }
0x11e: {  	s1 =	rddreg [dreg:$0x1];
	p0 =	sne.s32 s2, $0x0  }
0x11f: {  	s3 =	rddreg [dreg:$0x2];
	[bflag:$0x3] =	sbarrier.arrive $0xFFFF;
	s2 =	simm.s32 @!p0 $0x1C03  }
0x120: {  	[timem:s3], [sflag:s2] =	dma.local @!p0 [hbm:s0], s1  }
0x121: {  	s0 =	simm.s32 @!p0 $0x3  }
0x122: {  	_ =	swait.ge @!p0 [sflag:s0], s1  }
0x123: {  	s1 =	ssub.s32 @!p0 $0x0, s1;
	[sflag:s0] =	ssyncset.done @!p0 $0x0  }
0x124: {  	[sflag:s0] =	ssyncadd.s32 @!p0 s1  }
0x125: {  	[bflag:$0x3] =	sbarrier.arrive $0xFFFF  }
0x126: {  	_ =	shalt  }

</sc_bundles>
